<compile_context>
chip_gen: v7x
topology: tpu7x:2x2x1
jax: 0.10.2.dev20260603
libtpu: 0.0.44.dev20260713+nightly
codegen_flags: <defaults>
</compile_context>

<pallas_src>
import functools

import jax
import jax.numpy as jnp
from jax import lax
from jax.experimental import pallas as pl
from jax.experimental.pallas import tpu as pltpu
from jax.experimental.pallas import tpu_sc as plsc

N = 100000
T = 64
B = 64
D = 128

NC = 2
NS = 16
NW = NC * NS
CH = 160
NCHUNK = N // CH
RG = CH // 16
MAXG = 10
HU = 4
DU = 4


def _sqrt16(x):
    i = plsc.bitcast(x, jnp.int32)
    y = plsc.bitcast(jnp.int32(0x5F3759DF) - (i >> 1), jnp.float32)
    for _ in range(3):
        y = y * (1.5 - 0.5 * x * y * y)
    return jnp.where(x > 0.0, x * y, 0.0)


def _sc_body(to_hbm, po_hbm, hid_hbm, out_hbm,
             to_b0, to_b1, po_b0, po_b1, hid_b0, hid_b1, acc, sem0, sem1):
    wid = lax.axis_index("s") * NC + lax.axis_index("c")
    niter = (NCHUNK - wid + NW - 1) // NW

    to_b = (to_b0, to_b1)
    po_b = (po_b0, po_b1)
    hid_b = (hid_b0, hid_b1)
    sems = (sem0, sem1)

    zeros16 = jnp.zeros((16,), jnp.float32)
    acc[0, :] = zeros16
    acc[1, :] = zeros16

    def issue(b, c):
        base = c * CH
        sem = sems[b]
        pltpu.async_copy(to_hbm.at[pl.ds(base, CH)], to_b[b], sem)
        pltpu.async_copy(po_hbm.at[pl.ds(base, CH)], po_b[b], sem)
        pltpu.async_copy(hid_hbm.at[pl.ds(base, CH)], hid_b[b], sem)

    def drain(b):
        sem = sems[b]
        pltpu.make_async_copy(to_hbm.at[pl.ds(0, CH)], to_b[b], sem).wait()
        pltpu.make_async_copy(po_hbm.at[pl.ds(0, CH)], po_b[b], sem).wait()
        pltpu.make_async_copy(hid_hbm.at[pl.ds(0, CH)], hid_b[b], sem).wait()

    rows_iota = lax.broadcasted_iota(jnp.int32, (16,), 0)

    def process(b):
        hidb = hid_b[b]
        tob, pob = to_b[b], po_b[b]

        def rowgroup(rg, carry):
            ao, an = carry
            r0 = rg * 16

            tov = tob[pl.ds(r0, 16)]
            pov = pob[pl.ds(r0, 16)]
            d0 = pov - tov
            ao = ao + d0 * d0

            rowv = r0 + rows_iota

            def dcol(tc, anc):
                for k in range(DU):
                    c = tc * DU + k
                    colv = (rows_iota + c) & (D - 1)
                    hv = plsc.load_gather(hidb, [rowv, colv])
                    anc = anc + hv * hv
                return anc

            ss = lax.fori_loop(0, D // DU, dcol, zeros16)
            an = an + _sqrt16(ss)
            return ao, an

        ao, an = lax.fori_loop(0, RG, rowgroup, (zeros16, zeros16))
        plsc.addupdate(acc.at[0], ao)
        plsc.addupdate(acc.at[1], an)

    issue(0, wid)
    issue(1, wid + NW)

    def gstep(g, carry):
        for bb in (0, 1):
            i = 2 * g + bb
            c = wid + i * NW

            @pl.when(i < niter)
            def _():
                drain(bb)
                process(bb)

                @pl.when(i + 2 < niter)
                def _():
                    issue(bb, c + 2 * NW)

        return carry

    lax.fori_loop(0, MAXG, gstep, 0)
    pltpu.sync_copy(acc, out_hbm.at[wid])


def _sc_losses(truth_out, pred_out, hidden):
    mesh = plsc.VectorSubcoreMesh(core_axis_name="c", subcore_axis_name="s")
    run = functools.partial(
        pl.kernel,
        out_type=jax.ShapeDtypeStruct((NW, 2, 16), jnp.float32),
        mesh=mesh,
        compiler_params=pltpu.CompilerParams(needs_layout_passes=False),
        scratch_types=[
            pltpu.VMEM((CH,), jnp.float32),
            pltpu.VMEM((CH,), jnp.float32),
            pltpu.VMEM((CH,), jnp.float32),
            pltpu.VMEM((CH,), jnp.float32),
            pltpu.VMEM((CH, D), jnp.float32),
            pltpu.VMEM((CH, D), jnp.float32),
            pltpu.VMEM((2, 16), jnp.float32),
            pltpu.SemaphoreType.DMA,
            pltpu.SemaphoreType.DMA,
        ],
    )(_sc_body)
    return run(truth_out, pred_out, hidden)


BN = 2048
G = -(-N // BN)


def _hint_body(len_ref, ba_ref, th_ref, ph_ref, out_ref):
    i = pl.program_id(0)

    @pl.when(i == 0)
    def _init():
        out_ref[...] = jnp.zeros((1, 1), jnp.float32)

    d = ph_ref[...] - th_ref[...]
    gcol = i * BN + lax.broadcasted_iota(jnp.int32, (T, BN), 1)
    d2 = jnp.where(gcol < N, d * d, 0.0)
    ba = ba_ref[...]
    onehot = (lax.broadcasted_iota(jnp.int32, (B, BN), 0)
              == jnp.broadcast_to(ba, (B, BN))).astype(jnp.float32)
    p = jax.lax.dot_general(
        d2, onehot, (((1,), (1,)), ((), ())),
        preferred_element_type=jnp.float32,
        precision=jax.lax.Precision.HIGHEST)
    lenr = len_ref[...]
    tri = (lax.broadcasted_iota(jnp.int32, (T, B), 0)
           < jnp.broadcast_to(lenr, (T, B))).astype(jnp.float32)
    out_ref[...] += jnp.sum(p * tri, keepdims=True)


def _hint_loss_tc(truth_hint, pred_hint, batch_assign, length):
    tht = truth_hint.T
    pht = pred_hint.T
    ba2 = batch_assign.reshape(1, N)
    len2 = length.reshape(1, B)
    (hint,) = pl.pallas_call(
        _hint_body,
        grid=(G,),
        in_specs=[
            pl.BlockSpec((1, B), lambda i: (0, 0)),
            pl.BlockSpec((1, BN), lambda i: (0, i)),
            pl.BlockSpec((T, BN), lambda i: (0, i)),
            pl.BlockSpec((T, BN), lambda i: (0, i)),
        ],
        out_specs=[pl.BlockSpec((1, 1), lambda i: (0, 0))],
        out_shape=[jax.ShapeDtypeStruct((1, 1), jnp.float32)],
        compiler_params=pltpu.CompilerParams(
            dimension_semantics=("arbitrary",),
        ),
    )(len2, ba2, tht, pht)
    return hint


def kernel(truth_out, pred_out, truth_hint, pred_hint, hidden,
           edge_index, batch_assign, length):
    del edge_index
    parts = _sc_losses(truth_out, pred_out, hidden)
    hint = _hint_loss_tc(truth_hint, pred_hint, batch_assign, length)
    sums = jnp.sum(parts, axis=(0, 2))
    output_loss = (sums[0] / N).reshape(1)
    hint_loss = (hint[:, 0] / (N * T)).astype(jnp.float32)
    hidden_loss = sums[1] / N
    return (output_loss, hint_loss, hidden_loss)

# --- scband reference (transcript-rebuilt; emitter-appended) ---
"""Pipeline reference for scband-clrsloss-82952998355381 (READ-ONLY COPY).

The authoritative reference and input builder live on the scoring server;
editing this copy changes nothing except your own understanding.
"""

import jax, jax.numpy as jnp
import numpy as np

N = 100000
E = 1600000
T = 64
B = 64
D = 128


def setup_inputs(seed: int = 0) -> dict:
    key = jax.random.key(seed)
    ks = jax.random.split(key, 8)
    truth_out = jax.random.normal(ks[0], (N,), dtype=jnp.float32)
    pred_out = jax.random.normal(ks[1], (N,), dtype=jnp.float32)
    truth_hint = jax.random.normal(ks[2], (N, T), dtype=jnp.float32)
    pred_hint = jax.random.normal(ks[3], (N, T), dtype=jnp.float32)
    hidden = jax.random.normal(ks[4], (N, D), dtype=jnp.float32)
    edge_index = jax.random.randint(ks[5], (2, E), 0, N, dtype=jnp.int32)
    batch_assign = jnp.sort(jax.random.randint(ks[6], (N,), 0, B, dtype=jnp.int32))
    length = jax.random.randint(ks[7], (B,), 0, T, dtype=jnp.int32)
    return {
        'truth_out': truth_out,
        'pred_out': pred_out,
        'truth_hint': truth_hint,
        'pred_hint': pred_hint,
        'hidden': hidden,
        'edge_index': edge_index,
        'batch_assign': batch_assign,
        'length': length,
    }


def _scalar_loss(mask, truth, pred):
    # calculate_loss(..., type_='scalar'): mean(mse(pred, truth, reduction='none') * mask)
    return jnp.mean((pred - truth) ** 2 * mask)


def reference(truth_out, pred_out, truth_hint, pred_hint, hidden,
              edge_index, batch_assign, length):
    # ---- output losses (mask = ones_like(truth)) ----
    out_mask = jnp.ones_like(truth_out)
    output_loss = jnp.zeros((1,), dtype=jnp.float32)
    output_loss = output_loss + _scalar_loss(out_mask, truth_out, pred_out)

    # ---- hint losses (time mask from per-graph lengths) ----
    final_node_idx = jnp.take(length, batch_assign, axis=0) - 1          # [N]
    final_edge_idx = jnp.take(final_node_idx, edge_index[0], axis=0)     # [E] (computed as in torch, unused for node-level scalar hints)
    _ = final_edge_idx
    Tdim = truth_hint.shape[1]
    hint_mask = (jnp.arange(Tdim)[None, :] <= final_node_idx[:, None]).astype(truth_hint.dtype)  # [N, T]
    hint_loss = jnp.zeros((1,), dtype=jnp.float32)
    hint_loss = hint_loss + _scalar_loss(hint_mask, truth_hint, pred_hint)

    # ---- hidden loss: l2 -> mean(norm(hidden, dim=1)) ----
    hidden_loss = jnp.mean(jnp.linalg.norm(hidden, axis=1))

    return (output_loss, hint_loss, hidden_loss)

if __name__ == "__main__":
    import jax
    _d = setup_inputs()
    print(jax.jit(kernel)(*tuple(_d.values())))

</pallas_src>

<mosaic_0001>
#map = affine_map<(d0, d1) -> (0)>
#map1 = affine_map<(d0, d1) -> (0, 0)>
#map2 = affine_map<(d0, d1) -> (0, 0, 0)>
module attributes {stable_mosaic.version = 14 : i64} {
  func.func @_sc_body(%arg0: i32, %arg1: i32, %arg2: memref<100000xf32, #tpu.memory_space<hbm>>, %arg3: memref<100000xf32, #tpu.memory_space<hbm>>, %arg4: memref<100000x128xf32, #tpu.memory_space<hbm>>, %arg5: memref<32x2x16xf32, #tpu.memory_space<hbm>>, %arg6: memref<160xf32, #tpu.memory_space<vmem>>, %arg7: memref<160xf32, #tpu.memory_space<vmem>>, %arg8: memref<160xf32, #tpu.memory_space<vmem>>, %arg9: memref<160xf32, #tpu.memory_space<vmem>>, %arg10: memref<160x128xf32, #tpu.memory_space<vmem>>, %arg11: memref<160x128xf32, #tpu.memory_space<vmem>>, %arg12: memref<2x16xf32, #tpu.memory_space<vmem>>, %arg13: memref<!tpu.dma_semaphore, #tpu.memory_space<semaphore_mem>>, %arg14: memref<!tpu.dma_semaphore, #tpu.memory_space<semaphore_mem>>) attributes {dimension_semantics = [#tpu.dimension_semantics<core_parallel>, #tpu.dimension_semantics<subcore_parallel>], iteration_bounds = array<i64: 2, 16>, scalar_prefetch = 0 : i64, scratch_operands = 9 : i64, tpu.core_type = #tpu.core_type<sc_vector_subcore>, window_params = [{transform_indices = #map}, {transform_indices = #map}, {transform_indices = #map1}, {transform_indices = #map2}]} {
    %mul3A = arith.constant 2 : i32
    %mul3A_0 = arith.muli %arg1, %mul3A : i32
    %add3A = arith.addi %mul3A_0, %arg0 : i32
    %sub3A = arith.constant 625 : i32
    %sub3A_1 = arith.subi %sub3A, %add3A : i32
    %add3A_2 = arith.constant 32 : i32
    %add3A_3 = arith.addi %sub3A_1, %add3A_2 : i32
    %sub3A_4 = arith.constant 1 : i32
    %sub3A_5 = arith.subi %add3A_3, %sub3A_4 : i32
    %jit3A = arith.constant 32 : i32
    %div3A = arith.divsi %sub3A_5, %jit3A : i32
    %sign3A = arith.constant 0 : i32
    %sign3A_6 = arith.cmpi sgt, %sub3A_5, %sign3A : i32
    %sign3A_7 = arith.extui %sign3A_6 : i1 to i32
    %sign3A_8 = arith.constant 0 : i32
    %sign3A_9 = arith.cmpi slt, %sub3A_5, %sign3A_8 : i32
    %sign3A_10 = arith.extui %sign3A_9 : i1 to i32
    %sign3A_11 = arith.subi %sign3A_7, %sign3A_10 : i32
    %sign3A_12 = arith.constant 0 : i32
    %sign3A_13 = arith.cmpi sgt, %jit3A, %sign3A_12 : i32
    %sign3A_14 = arith.extui %sign3A_13 : i1 to i32
    %sign3A_15 = arith.constant 0 : i32
    %sign3A_16 = arith.cmpi slt, %jit3A, %sign3A_15 : i32
    %sign3A_17 = arith.extui %sign3A_16 : i1 to i32
    %sign3A_18 = arith.subi %sign3A_14, %sign3A_17 : i32
    %ne3A = arith.cmpi ne, %sign3A_11, %sign3A_18 : i32
    %rem3A = arith.remsi %sub3A_5, %jit3A : i32
    %ne3A_19 = arith.constant 0 : i32
    %ne3A_20 = arith.cmpi ne, %rem3A, %ne3A_19 : i32
    %and3A = arith.andi %ne3A, %ne3A_20 : i1
    %sub3A_21 = arith.constant 1 : i32
    %sub3A_22 = arith.subi %div3A, %sub3A_21 : i32
    %select_n3A = arith.select %and3A, %sub3A_22, %div3A : i32
    %broadcast_in_dim3A = arith.constant 0.000000e+00 : f32
    %broadcast_in_dim3A_23 = vector.broadcast %broadcast_in_dim3A : f32 to vector<16xf32>
    %swap3A = arith.constant 0 : i32
    %swap3A_24 = arith.index_cast %swap3A : i32 to index
    %swap3A_25 = arith.constant 0 : index
    %swap3A_26 = tpu.vector_load %arg12[%swap3A_24, %swap3A_25] {strides = array<i32>} : memref<2x16xf32, #tpu.memory_space<vmem>>, vector<16xf32>,
    tpu.vector_store %arg12[%swap3A_24, %swap3A_25], %broadcast_in_dim3A_23 {strides = array<i32>} : memref<2x16xf32, #tpu.memory_space<vmem>>, vector<16xf32>,
    %swap3A_27 = arith.constant 1 : i32
    %swap3A_28 = arith.index_cast %swap3A_27 : i32 to index
    %swap3A_29 = arith.constant 0 : index
    %swap3A_30 = tpu.vector_load %arg12[%swap3A_28, %swap3A_29] {strides = array<i32>} : memref<2x16xf32, #tpu.memory_space<vmem>>, vector<16xf32>,
    tpu.vector_store %arg12[%swap3A_28, %swap3A_29], %broadcast_in_dim3A_23 {strides = array<i32>} : memref<2x16xf32, #tpu.memory_space<vmem>>, vector<16xf32>,
    %iota3A = tpu.iota {dimensions = array<i32: 0>} : vector<16xi32>
    %mul3A_31 = arith.constant 160 : i32
    %mul3A_32 = arith.muli %add3A, %mul3A_31 : i32
    %dma_start3A = tpu.memref_slice %arg2[%mul3A_32] : memref<100000xf32, #tpu.memory_space<hbm>> -> memref<160xf32, #tpu.memory_space<hbm>>
    %dma_start3A_33 = tpu.memref_slice %arg2[%mul3A_32] : memref<100000xf32, #tpu.memory_space<hbm>> -> memref<160xf32, #tpu.memory_space<hbm>>
    tpu.enqueue_dma source(%dma_start3A_33 : memref<160xf32, #tpu.memory_space<hbm>>) target(%arg6 : memref<160xf32, #tpu.memory_space<vmem>>) target_semaphore(%arg13 : memref<!tpu.dma_semaphore, #tpu.memory_space<semaphore_mem>>)
    %dma_start3A_34 = tpu.memref_slice %arg3[%mul3A_32] : memref<100000xf32, #tpu.memory_space<hbm>> -> memref<160xf32, #tpu.memory_space<hbm>>
    %dma_start3A_35 = tpu.memref_slice %arg3[%mul3A_32] : memref<100000xf32, #tpu.memory_space<hbm>> -> memref<160xf32, #tpu.memory_space<hbm>>
    tpu.enqueue_dma source(%dma_start3A_35 : memref<160xf32, #tpu.memory_space<hbm>>) target(%arg8 : memref<160xf32, #tpu.memory_space<vmem>>) target_semaphore(%arg13 : memref<!tpu.dma_semaphore, #tpu.memory_space<semaphore_mem>>)
    %dma_start3A_36 = arith.constant 0 : i32
    %dma_start3A_37 = tpu.memref_slice %arg4[%mul3A_32, %dma_start3A_36] : memref<100000x128xf32, #tpu.memory_space<hbm>> -> memref<160x128xf32, #tpu.memory_space<hbm>>
    %dma_start3A_38 = arith.constant 0 : i32
    %dma_start3A_39 = tpu.memref_slice %arg4[%mul3A_32, %dma_start3A_38] : memref<100000x128xf32, #tpu.memory_space<hbm>> -> memref<160x128xf32, #tpu.memory_space<hbm>>
    tpu.enqueue_dma source(%dma_start3A_39 : memref<160x128xf32, #tpu.memory_space<hbm>>) target(%arg10 : memref<160x128xf32, #tpu.memory_space<vmem>>) target_semaphore(%arg13 : memref<!tpu.dma_semaphore, #tpu.memory_space<semaphore_mem>>)
    %add3A_40 = arith.constant 32 : i32
    %add3A_41 = arith.addi %add3A, %add3A_40 : i32
    %mul3A_42 = arith.constant 160 : i32
    %mul3A_43 = arith.muli %add3A_41, %mul3A_42 : i32
    %dma_start3A_44 = tpu.memref_slice %arg2[%mul3A_43] : memref<100000xf32, #tpu.memory_space<hbm>> -> memref<160xf32, #tpu.memory_space<hbm>>
    %dma_start3A_45 = tpu.memref_slice %arg2[%mul3A_43] : memref<100000xf32, #tpu.memory_space<hbm>> -> memref<160xf32, #tpu.memory_space<hbm>>
    tpu.enqueue_dma source(%dma_start3A_45 : memref<160xf32, #tpu.memory_space<hbm>>) target(%arg7 : memref<160xf32, #tpu.memory_space<vmem>>) target_semaphore(%arg14 : memref<!tpu.dma_semaphore, #tpu.memory_space<semaphore_mem>>)
    %dma_start3A_46 = tpu.memref_slice %arg3[%mul3A_43] : memref<100000xf32, #tpu.memory_space<hbm>> -> memref<160xf32, #tpu.memory_space<hbm>>
    %dma_start3A_47 = tpu.memref_slice %arg3[%mul3A_43] : memref<100000xf32, #tpu.memory_space<hbm>> -> memref<160xf32, #tpu.memory_space<hbm>>
    tpu.enqueue_dma source(%dma_start3A_47 : memref<160xf32, #tpu.memory_space<hbm>>) target(%arg9 : memref<160xf32, #tpu.memory_space<vmem>>) target_semaphore(%arg14 : memref<!tpu.dma_semaphore, #tpu.memory_space<semaphore_mem>>)
    %dma_start3A_48 = arith.constant 0 : i32
    %dma_start3A_49 = tpu.memref_slice %arg4[%mul3A_43, %dma_start3A_48] : memref<100000x128xf32, #tpu.memory_space<hbm>> -> memref<160x128xf32, #tpu.memory_space<hbm>>
    %dma_start3A_50 = arith.constant 0 : i32
    %dma_start3A_51 = tpu.memref_slice %arg4[%mul3A_43, %dma_start3A_50] : memref<100000x128xf32, #tpu.memory_space<hbm>> -> memref<160x128xf32, #tpu.memory_space<hbm>>
    tpu.enqueue_dma source(%dma_start3A_51 : memref<160x128xf32, #tpu.memory_space<hbm>>) target(%arg11 : memref<160x128xf32, #tpu.memory_space<vmem>>) target_semaphore(%arg14 : memref<!tpu.dma_semaphore, #tpu.memory_space<semaphore_mem>>)
    %scan3A = arith.constant 0 : i32
    %scan3A_52 = arith.constant 0 : i32
    %scan3A_53 = arith.constant 10 : i32
    %scan3A_54 = arith.addi %scan3A_52, %scan3A_53 : i32
    %scan3A_55 = arith.constant 1 : i32
    scf.for %scan3A_57 = %scan3A_52 to %scan3A_54 step %scan3A_55  : i32 {
      %mul3A_58 = arith.constant 2 : i32
      %mul3A_59 = arith.muli %mul3A_58, %scan3A_57 : i32
      %add3A_60 = arith.constant 0 : i32
      %add3A_61 = arith.addi %mul3A_59, %add3A_60 : i32
      %mul3A_62 = arith.constant 32 : i32
      %mul3A_63 = arith.muli %add3A_61, %mul3A_62 : i32
      %add3A_64 = arith.addi %add3A, %mul3A_63 : i32
      %lt3A = arith.cmpi slt, %add3A_61, %select_n3A : i32
      %convert_element_type3A = arith.extui %lt3A : i1 to i32
      %cond3A = arith.constant 0 : i32
      %cond3A_65 = arith.cmpi ne, %convert_element_type3A, %cond3A : i32
      scf.if %cond3A_65 {
        %dma_wait3A = arith.constant 0 : i32
        %dma_wait3A_77 = tpu.memref_slice %arg2[%dma_wait3A] : memref<100000xf32, #tpu.memory_space<hbm>> -> memref<160xf32, #tpu.memory_space<hbm>>
        %dma_wait3A_78 = arith.constant 0 : i32
        %dma_wait3A_79 = tpu.memref_slice %arg2[%dma_wait3A_78] : memref<100000xf32, #tpu.memory_space<hbm>> -> memref<160xf32, #tpu.memory_space<hbm>>
        tpu.wait_dma2 semaphore(%arg13 : memref<!tpu.dma_semaphore, #tpu.memory_space<semaphore_mem>>) src(%dma_wait3A_79 : memref<160xf32, #tpu.memory_space<hbm>>) dst(%arg6 : memref<160xf32, #tpu.memory_space<vmem>>)
        %dma_wait3A_80 = arith.constant 0 : i32
        %dma_wait3A_81 = tpu.memref_slice %arg3[%dma_wait3A_80] : memref<100000xf32, #tpu.memory_space<hbm>> -> memref<160xf32, #tpu.memory_space<hbm>>
        %dma_wait3A_82 = arith.constant 0 : i32
        %dma_wait3A_83 = tpu.memref_slice %arg3[%dma_wait3A_82] : memref<100000xf32, #tpu.memory_space<hbm>> -> memref<160xf32, #tpu.memory_space<hbm>>
        tpu.wait_dma2 semaphore(%arg13 : memref<!tpu.dma_semaphore, #tpu.memory_space<semaphore_mem>>) src(%dma_wait3A_83 : memref<160xf32, #tpu.memory_space<hbm>>) dst(%arg8 : memref<160xf32, #tpu.memory_space<vmem>>)
        %dma_wait3A_84 = arith.constant 0 : i32
        %dma_wait3A_85 = arith.constant 0 : i32
        %dma_wait3A_86 = tpu.memref_slice %arg4[%dma_wait3A_84, %dma_wait3A_85] : memref<100000x128xf32, #tpu.memory_space<hbm>> -> memref<160x128xf32, #tpu.memory_space<hbm>>
        %dma_wait3A_87 = arith.constant 0 : i32
        %dma_wait3A_88 = arith.constant 0 : i32
        %dma_wait3A_89 = tpu.memref_slice %arg4[%dma_wait3A_87, %dma_wait3A_88] : memref<100000x128xf32, #tpu.memory_space<hbm>> -> memref<160x128xf32, #tpu.memory_space<hbm>>
        tpu.wait_dma2 semaphore(%arg13 : memref<!tpu.dma_semaphore, #tpu.memory_space<semaphore_mem>>) src(%dma_wait3A_89 : memref<160x128xf32, #tpu.memory_space<hbm>>) dst(%arg10 : memref<160x128xf32, #tpu.memory_space<vmem>>)
        %scan3A_90 = arith.constant 0 : i32
        %scan3A_91 = arith.constant 10 : i32
        %scan3A_92 = arith.addi %scan3A_90, %scan3A_91 : i32
        %scan3A_93 = arith.constant 1 : i32
        %scan3A_94:2 = scf.for %scan3A_110 = %scan3A_90 to %scan3A_92 step %scan3A_93 iter_args(%scan3A_111 = %broadcast_in_dim3A_23, %scan3A_112 = %broadcast_in_dim3A_23) -> (vector<16xf32>, vector<16xf32>)  : i32 {
          %mul3A_113 = arith.constant 16 : i32
          %mul3A_114 = arith.muli %scan3A_110, %mul3A_113 : i32
          %get3A = arith.index_cast %mul3A_114 : i32 to index
          %get3A_115 = tpu.vector_load %arg6[%get3A] {strides = array<i32>} : memref<160xf32, #tpu.memory_space<vmem>>, vector<16xf32>,
          %get3A_116 = arith.index_cast %mul3A_114 : i32 to index
          %get3A_117 = tpu.vector_load %arg8[%get3A_116] {strides = array<i32>} : memref<160xf32, #tpu.memory_space<vmem>>, vector<16xf32>,
          %sub3A_118 = arith.subf %get3A_117, %get3A_115 : vector<16xf32>
          %mul3A_119 = arith.mulf %sub3A_118, %sub3A_118 : vector<16xf32>
          %add3A_120 = arith.addf %scan3A_111, %mul3A_119 : vector<16xf32>
          %add3A_121 = vector.broadcast %mul3A_114 : i32 to vector<16xi32>
          %add3A_122 = arith.addi %add3A_121, %iota3A : vector<16xi32>
          %scan3A_123 = arith.constant 0 : i32
          %scan3A_124 = arith.constant 32 : i32
          %scan3A_125 = arith.addi %scan3A_123, %scan3A_124 : i32
          %scan3A_126 = arith.constant 1 : i32
          %scan3A_127 = scf.for %scan3A_169 = %scan3A_123 to %scan3A_125 step %scan3A_126 iter_args(%scan3A_170 = %broadcast_in_dim3A_23) -> (vector<16xf32>)  : i32 {
            %mul3A_171 = arith.constant 4 : i32
            %mul3A_172 = arith.muli %scan3A_169, %mul3A_171 : i32
            %add3A_173 = arith.constant 0 : i32
            %add3A_174 = arith.addi %mul3A_172, %add3A_173 : i32
            %add3A_175 = vector.broadcast %add3A_174 : i32 to vector<16xi32>
            %add3A_176 = arith.addi %iota3A, %add3A_175 : vector<16xi32>
            %and3A_177 = arith.constant 127 : i32
            %and3A_178 = vector.broadcast %and3A_177 : i32 to vector<16xi32>
            %and3A_179 = arith.andi %add3A_176, %and3A_178 : vector<16xi32>
            %gather3A = tpu.vector_load_idx %arg10[%add3A_122, %and3A_179] : memref<160x128xf32, #tpu.memory_space<vmem>>[vector<16xi32>, vector<16xi32>], vector<16xf32>,
            %mul3A_180 = arith.mulf %gather3A, %gather3A : vector<16xf32>
            %add3A_181 = arith.addf %scan3A_170, %mul3A_180 : vector<16xf32>
            %mul3A_182 = arith.constant 4 : i32
            %mul3A_183 = arith.muli %scan3A_169, %mul3A_182 : i32
            %add3A_184 = arith.constant 1 : i32
            %add3A_185 = arith.addi %mul3A_183, %add3A_184 : i32
            %add3A_186 = vector.broadcast %add3A_185 : i32 to vector<16xi32>
            %add3A_187 = arith.addi %iota3A, %add3A_186 : vector<16xi32>
            %and3A_188 = arith.constant 127 : i32
            %and3A_189 = vector.broadcast %and3A_188 : i32 to vector<16xi32>
            %and3A_190 = arith.andi %add3A_187, %and3A_189 : vector<16xi32>
            %gather3A_191 = tpu.vector_load_idx %arg10[%add3A_122, %and3A_190] : memref<160x128xf32, #tpu.memory_space<vmem>>[vector<16xi32>, vector<16xi32>], vector<16xf32>,
            %mul3A_192 = arith.mulf %gather3A_191, %gather3A_191 : vector<16xf32>
            %add3A_193 = arith.addf %add3A_181, %mul3A_192 : vector<16xf32>
            %mul3A_194 = arith.constant 4 : i32
            %mul3A_195 = arith.muli %scan3A_169, %mul3A_194 : i32
            %add3A_196 = arith.constant 2 : i32
            %add3A_197 = arith.addi %mul3A_195, %add3A_196 : i32
            %add3A_198 = vector.broadcast %add3A_197 : i32 to vector<16xi32>
            %add3A_199 = arith.addi %iota3A, %add3A_198 : vector<16xi32>
            %and3A_200 = arith.constant 127 : i32
            %and3A_201 = vector.broadcast %and3A_200 : i32 to vector<16xi32>
            %and3A_202 = arith.andi %add3A_199, %and3A_201 : vector<16xi32>
            %gather3A_203 = tpu.vector_load_idx %arg10[%add3A_122, %and3A_202] : memref<160x128xf32, #tpu.memory_space<vmem>>[vector<16xi32>, vector<16xi32>], vector<16xf32>,
            %mul3A_204 = arith.mulf %gather3A_203, %gather3A_203 : vector<16xf32>
            %add3A_205 = arith.addf %add3A_193, %mul3A_204 : vector<16xf32>
            %mul3A_206 = arith.constant 4 : i32
            %mul3A_207 = arith.muli %scan3A_169, %mul3A_206 : i32
            %add3A_208 = arith.constant 3 : i32
            %add3A_209 = arith.addi %mul3A_207, %add3A_208 : i32
            %add3A_210 = vector.broadcast %add3A_209 : i32 to vector<16xi32>
            %add3A_211 = arith.addi %iota3A, %add3A_210 : vector<16xi32>
            %and3A_212 = arith.constant 127 : i32
            %and3A_213 = vector.broadcast %and3A_212 : i32 to vector<16xi32>
            %and3A_214 = arith.andi %add3A_211, %and3A_213 : vector<16xi32>
            %gather3A_215 = tpu.vector_load_idx %arg10[%add3A_122, %and3A_214] : memref<160x128xf32, #tpu.memory_space<vmem>>[vector<16xi32>, vector<16xi32>], vector<16xf32>,
            %mul3A_216 = arith.mulf %gather3A_215, %gather3A_215 : vector<16xf32>
            %add3A_217 = arith.addf %add3A_205, %mul3A_216 : vector<16xf32>
            scf.yield %add3A_217 : vector<16xf32>
          }
          %scan3A_128 = arith.constant 32 : i32
          %bitcast3A = vector.bitcast %scan3A_127 : vector<16xf32> to vector<16xi32>
          %shift_right_arithmetic3A = arith.constant 1 : i32
          %shift_right_arithmetic3A_129 = vector.broadcast %shift_right_arithmetic3A : i32 to vector<16xi32>
          %shift_right_arithmetic3A_130 = arith.shrsi %bitcast3A, %shift_right_arithmetic3A_129 : vector<16xi32>
          %sub3A_131 = arith.constant 1597463007 : i32
          %sub3A_132 = vector.broadcast %sub3A_131 : i32 to vector<16xi32>
          %sub3A_133 = arith.subi %sub3A_132, %shift_right_arithmetic3A_130 : vector<16xi32>
          %bitcast3A_134 = vector.bitcast %sub3A_133 : vector<16xi32> to vector<16xf32>
          %mul3A_135 = arith.constant 5.000000e-01 : f32
          %mul3A_136 = vector.broadcast %mul3A_135 : f32 to vector<16xf32>
          %mul3A_137 = arith.mulf %mul3A_136, %scan3A_127 : vector<16xf32>
          %mul3A_138 = arith.mulf %mul3A_137, %bitcast3A_134 : vector<16xf32>
          %mul3A_139 = arith.mulf %mul3A_138, %bitcast3A_134 : vector<16xf32>
          %sub3A_140 = arith.constant 1.500000e+00 : f32
          %sub3A_141 = vector.broadcast %sub3A_140 : f32 to vector<16xf32>
          %sub3A_142 = arith.subf %sub3A_141, %mul3A_139 : vector<16xf32>
          %mul3A_143 = arith.mulf %bitcast3A_134, %sub3A_142 : vector<16xf32>
          %mul3A_144 = arith.constant 5.000000e-01 : f32
          %mul3A_145 = vector.broadcast %mul3A_144 : f32 to vector<16xf32>
          %mul3A_146 = arith.mulf %mul3A_145, %scan3A_127 : vector<16xf32>
          %mul3A_147 = arith.mulf %mul3A_146, %mul3A_143 : vector<16xf32>
          %mul3A_148 = arith.mulf %mul3A_147, %mul3A_143 : vector<16xf32>
          %sub3A_149 = arith.constant 1.500000e+00 : f32
          %sub3A_150 = vector.broadcast %sub3A_149 : f32 to vector<16xf32>
          %sub3A_151 = arith.subf %sub3A_150, %mul3A_148 : vector<16xf32>
          %mul3A_152 = arith.mulf %mul3A_143, %sub3A_151 : vector<16xf32>
          %mul3A_153 = arith.constant 5.000000e-01 : f32
          %mul3A_154 = vector.broadcast %mul3A_153 : f32 to vector<16xf32>
          %mul3A_155 = arith.mulf %mul3A_154, %scan3A_127 : vector<16xf32>
          %mul3A_156 = arith.mulf %mul3A_155, %mul3A_152 : vector<16xf32>
          %mul3A_157 = arith.mulf %mul3A_156, %mul3A_152 : vector<16xf32>
          %sub3A_158 = arith.constant 1.500000e+00 : f32
          %sub3A_159 = vector.broadcast %sub3A_158 : f32 to vector<16xf32>
          %sub3A_160 = arith.subf %sub3A_159, %mul3A_157 : vector<16xf32>
          %mul3A_161 = arith.mulf %mul3A_152, %sub3A_160 : vector<16xf32>
          %gt3A = arith.constant 0.000000e+00 : f32
          %gt3A_162 = vector.broadcast %gt3A : f32 to vector<16xf32>
          %gt3A_163 = arith.cmpf ogt, %scan3A_127, %gt3A_162 : vector<16xf32>
          %mul3A_164 = arith.mulf %scan3A_127, %mul3A_161 : vector<16xf32>
          %jit3A_165 = arith.constant 0.000000e+00 : f32
          %broadcast_in_dim3A_166 = vector.broadcast %jit3A_165 : f32 to vector<16xf32>
          %select_n3A_167 = arith.select %gt3A_163, %mul3A_164, %broadcast_in_dim3A_166 : vector<16xi1>, vector<16xf32>
          %add3A_168 = arith.addf %scan3A_112, %select_n3A_167 : vector<16xf32>
          scf.yield %add3A_120, %add3A_168 : vector<16xf32>, vector<16xf32>
        }
        %scan3A_95 = arith.constant 10 : i32
        %swap3A_96 = arith.constant 0 : i32
        %swap3A_97 = arith.index_cast %swap3A_96 : i32 to index
        %swap3A_98 = arith.constant 0 : index
        %swap3A_99 = tpu.vector_load %arg12[%swap3A_97, %swap3A_98] {strides = array<i32>} : memref<2x16xf32, #tpu.memory_space<vmem>>, vector<16xf32>,
        tpu.vector_store %arg12[%swap3A_97, %swap3A_98], %scan3A_94#0 {add = true, strides = array<i32>} : memref<2x16xf32, #tpu.memory_space<vmem>>, vector<16xf32>,
        %swap3A_100 = arith.constant 1 : i32
        %swap3A_101 = arith.index_cast %swap3A_100 : i32 to index
        %swap3A_102 = arith.constant 0 : index
        %swap3A_103 = tpu.vector_load %arg12[%swap3A_101, %swap3A_102] {strides = array<i32>} : memref<2x16xf32, #tpu.memory_space<vmem>>, vector<16xf32>,
        tpu.vector_store %arg12[%swap3A_101, %swap3A_102], %scan3A_94#1 {add = true, strides = array<i32>} : memref<2x16xf32, #tpu.memory_space<vmem>>, vector<16xf32>,
        %add3A_104 = arith.constant 2 : i32
        %add3A_105 = arith.addi %add3A_61, %add3A_104 : i32
        %lt3A_106 = arith.cmpi slt, %add3A_105, %select_n3A : i32
        %convert_element_type3A_107 = arith.extui %lt3A_106 : i1 to i32
        %cond3A_108 = arith.constant 0 : i32
        %cond3A_109 = arith.cmpi ne, %convert_element_type3A_107, %cond3A_108 : i32
        scf.if %cond3A_109 {
          %add3A_110 = arith.constant 64 : i32
          %add3A_111 = arith.addi %add3A_64, %add3A_110 : i32
          %mul3A_112 = arith.constant 160 : i32
          %mul3A_113 = arith.muli %add3A_111, %mul3A_112 : i32
          %dma_start3A_114 = tpu.memref_slice %arg2[%mul3A_113] : memref<100000xf32, #tpu.memory_space<hbm>> -> memref<160xf32, #tpu.memory_space<hbm>>
          %dma_start3A_115 = tpu.memref_slice %arg2[%mul3A_113] : memref<100000xf32, #tpu.memory_space<hbm>> -> memref<160xf32, #tpu.memory_space<hbm>>
          tpu.enqueue_dma source(%dma_start3A_115 : memref<160xf32, #tpu.memory_space<hbm>>) target(%arg6 : memref<160xf32, #tpu.memory_space<vmem>>) target_semaphore(%arg13 : memref<!tpu.dma_semaphore, #tpu.memory_space<semaphore_mem>>)
          %dma_start3A_116 = tpu.memref_slice %arg3[%mul3A_113] : memref<100000xf32, #tpu.memory_space<hbm>> -> memref<160xf32, #tpu.memory_space<hbm>>
          %dma_start3A_117 = tpu.memref_slice %arg3[%mul3A_113] : memref<100000xf32, #tpu.memory_space<hbm>> -> memref<160xf32, #tpu.memory_space<hbm>>
          tpu.enqueue_dma source(%dma_start3A_117 : memref<160xf32, #tpu.memory_space<hbm>>) target(%arg8 : memref<160xf32, #tpu.memory_space<vmem>>) target_semaphore(%arg13 : memref<!tpu.dma_semaphore, #tpu.memory_space<semaphore_mem>>)
          %dma_start3A_118 = arith.constant 0 : i32
          %dma_start3A_119 = tpu.memref_slice %arg4[%mul3A_113, %dma_start3A_118] : memref<100000x128xf32, #tpu.memory_space<hbm>> -> memref<160x128xf32, #tpu.memory_space<hbm>>
          %dma_start3A_120 = arith.constant 0 : i32
          %dma_start3A_121 = tpu.memref_slice %arg4[%mul3A_113, %dma_start3A_120] : memref<100000x128xf32, #tpu.memory_space<hbm>> -> memref<160x128xf32, #tpu.memory_space<hbm>>
          tpu.enqueue_dma source(%dma_start3A_121 : memref<160x128xf32, #tpu.memory_space<hbm>>) target(%arg10 : memref<160x128xf32, #tpu.memory_space<vmem>>) target_semaphore(%arg13 : memref<!tpu.dma_semaphore, #tpu.memory_space<semaphore_mem>>)
        } else {
        }
      } else {
      }
      %mul3A_66 = arith.constant 2 : i32
      %mul3A_67 = arith.muli %mul3A_66, %scan3A_57 : i32
      %add3A_68 = arith.constant 1 : i32
      %add3A_69 = arith.addi %mul3A_67, %add3A_68 : i32
      %mul3A_70 = arith.constant 32 : i32
      %mul3A_71 = arith.muli %add3A_69, %mul3A_70 : i32
      %add3A_72 = arith.addi %add3A, %mul3A_71 : i32
      %lt3A_73 = arith.cmpi slt, %add3A_69, %select_n3A : i32
      %convert_element_type3A_74 = arith.extui %lt3A_73 : i1 to i32
      %cond3A_75 = arith.constant 0 : i32
      %cond3A_76 = arith.cmpi ne, %convert_element_type3A_74, %cond3A_75 : i32
      scf.if %cond3A_76 {
        %dma_wait3A = arith.constant 0 : i32
        %dma_wait3A_77 = tpu.memref_slice %arg2[%dma_wait3A] : memref<100000xf32, #tpu.memory_space<hbm>> -> memref<160xf32, #tpu.memory_space<hbm>>
        %dma_wait3A_78 = arith.constant 0 : i32
        %dma_wait3A_79 = tpu.memref_slice %arg2[%dma_wait3A_78] : memref<100000xf32, #tpu.memory_space<hbm>> -> memref<160xf32, #tpu.memory_space<hbm>>
        tpu.wait_dma2 semaphore(%arg14 : memref<!tpu.dma_semaphore, #tpu.memory_space<semaphore_mem>>) src(%dma_wait3A_79 : memref<160xf32, #tpu.memory_space<hbm>>) dst(%arg7 : memref<160xf32, #tpu.memory_space<vmem>>)
        %dma_wait3A_80 = arith.constant 0 : i32
        %dma_wait3A_81 = tpu.memref_slice %arg3[%dma_wait3A_80] : memref<100000xf32, #tpu.memory_space<hbm>> -> memref<160xf32, #tpu.memory_space<hbm>>
        %dma_wait3A_82 = arith.constant 0 : i32
        %dma_wait3A_83 = tpu.memref_slice %arg3[%dma_wait3A_82] : memref<100000xf32, #tpu.memory_space<hbm>> -> memref<160xf32, #tpu.memory_space<hbm>>
        tpu.wait_dma2 semaphore(%arg14 : memref<!tpu.dma_semaphore, #tpu.memory_space<semaphore_mem>>) src(%dma_wait3A_83 : memref<160xf32, #tpu.memory_space<hbm>>) dst(%arg9 : memref<160xf32, #tpu.memory_space<vmem>>)
        %dma_wait3A_84 = arith.constant 0 : i32
        %dma_wait3A_85 = arith.constant 0 : i32
        %dma_wait3A_86 = tpu.memref_slice %arg4[%dma_wait3A_84, %dma_wait3A_85] : memref<100000x128xf32, #tpu.memory_space<hbm>> -> memref<160x128xf32, #tpu.memory_space<hbm>>
        %dma_wait3A_87 = arith.constant 0 : i32
        %dma_wait3A_88 = arith.constant 0 : i32
        %dma_wait3A_89 = tpu.memref_slice %arg4[%dma_wait3A_87, %dma_wait3A_88] : memref<100000x128xf32, #tpu.memory_space<hbm>> -> memref<160x128xf32, #tpu.memory_space<hbm>>
        tpu.wait_dma2 semaphore(%arg14 : memref<!tpu.dma_semaphore, #tpu.memory_space<semaphore_mem>>) src(%dma_wait3A_89 : memref<160x128xf32, #tpu.memory_space<hbm>>) dst(%arg11 : memref<160x128xf32, #tpu.memory_space<vmem>>)
        %scan3A_90 = arith.constant 0 : i32
        %scan3A_91 = arith.constant 10 : i32
        %scan3A_92 = arith.addi %scan3A_90, %scan3A_91 : i32
        %scan3A_93 = arith.constant 1 : i32
        %scan3A_94:2 = scf.for %scan3A_110 = %scan3A_90 to %scan3A_92 step %scan3A_93 iter_args(%scan3A_111 = %broadcast_in_dim3A_23, %scan3A_112 = %broadcast_in_dim3A_23) -> (vector<16xf32>, vector<16xf32>)  : i32 {
          %mul3A_113 = arith.constant 16 : i32
          %mul3A_114 = arith.muli %scan3A_110, %mul3A_113 : i32
          %get3A = arith.index_cast %mul3A_114 : i32 to index
          %get3A_115 = tpu.vector_load %arg7[%get3A] {strides = array<i32>} : memref<160xf32, #tpu.memory_space<vmem>>, vector<16xf32>,
          %get3A_116 = arith.index_cast %mul3A_114 : i32 to index
          %get3A_117 = tpu.vector_load %arg9[%get3A_116] {strides = array<i32>} : memref<160xf32, #tpu.memory_space<vmem>>, vector<16xf32>,
          %sub3A_118 = arith.subf %get3A_117, %get3A_115 : vector<16xf32>
          %mul3A_119 = arith.mulf %sub3A_118, %sub3A_118 : vector<16xf32>
          %add3A_120 = arith.addf %scan3A_111, %mul3A_119 : vector<16xf32>
          %add3A_121 = vector.broadcast %mul3A_114 : i32 to vector<16xi32>
          %add3A_122 = arith.addi %add3A_121, %iota3A : vector<16xi32>
          %scan3A_123 = arith.constant 0 : i32
          %scan3A_124 = arith.constant 32 : i32
          %scan3A_125 = arith.addi %scan3A_123, %scan3A_124 : i32
          %scan3A_126 = arith.constant 1 : i32
          %scan3A_127 = scf.for %scan3A_169 = %scan3A_123 to %scan3A_125 step %scan3A_126 iter_args(%scan3A_170 = %broadcast_in_dim3A_23) -> (vector<16xf32>)  : i32 {
            %mul3A_171 = arith.constant 4 : i32
            %mul3A_172 = arith.muli %scan3A_169, %mul3A_171 : i32
            %add3A_173 = arith.constant 0 : i32
            %add3A_174 = arith.addi %mul3A_172, %add3A_173 : i32
            %add3A_175 = vector.broadcast %add3A_174 : i32 to vector<16xi32>
            %add3A_176 = arith.addi %iota3A, %add3A_175 : vector<16xi32>
            %and3A_177 = arith.constant 127 : i32
            %and3A_178 = vector.broadcast %and3A_177 : i32 to vector<16xi32>
            %and3A_179 = arith.andi %add3A_176, %and3A_178 : vector<16xi32>
            %gather3A = tpu.vector_load_idx %arg11[%add3A_122, %and3A_179] : memref<160x128xf32, #tpu.memory_space<vmem>>[vector<16xi32>, vector<16xi32>], vector<16xf32>,
            %mul3A_180 = arith.mulf %gather3A, %gather3A : vector<16xf32>
            %add3A_181 = arith.addf %scan3A_170, %mul3A_180 : vector<16xf32>
            %mul3A_182 = arith.constant 4 : i32
            %mul3A_183 = arith.muli %scan3A_169, %mul3A_182 : i32
            %add3A_184 = arith.constant 1 : i32
            %add3A_185 = arith.addi %mul3A_183, %add3A_184 : i32
            %add3A_186 = vector.broadcast %add3A_185 : i32 to vector<16xi32>
            %add3A_187 = arith.addi %iota3A, %add3A_186 : vector<16xi32>
            %and3A_188 = arith.constant 127 : i32
            %and3A_189 = vector.broadcast %and3A_188 : i32 to vector<16xi32>
            %and3A_190 = arith.andi %add3A_187, %and3A_189 : vector<16xi32>
            %gather3A_191 = tpu.vector_load_idx %arg11[%add3A_122, %and3A_190] : memref<160x128xf32, #tpu.memory_space<vmem>>[vector<16xi32>, vector<16xi32>], vector<16xf32>,
            %mul3A_192 = arith.mulf %gather3A_191, %gather3A_191 : vector<16xf32>
            %add3A_193 = arith.addf %add3A_181, %mul3A_192 : vector<16xf32>
            %mul3A_194 = arith.constant 4 : i32
            %mul3A_195 = arith.muli %scan3A_169, %mul3A_194 : i32
            %add3A_196 = arith.constant 2 : i32
            %add3A_197 = arith.addi %mul3A_195, %add3A_196 : i32
            %add3A_198 = vector.broadcast %add3A_197 : i32 to vector<16xi32>
            %add3A_199 = arith.addi %iota3A, %add3A_198 : vector<16xi32>
            %and3A_200 = arith.constant 127 : i32
            %and3A_201 = vector.broadcast %and3A_200 : i32 to vector<16xi32>
            %and3A_202 = arith.andi %add3A_199, %and3A_201 : vector<16xi32>
            %gather3A_203 = tpu.vector_load_idx %arg11[%add3A_122, %and3A_202] : memref<160x128xf32, #tpu.memory_space<vmem>>[vector<16xi32>, vector<16xi32>], vector<16xf32>,
            %mul3A_204 = arith.mulf %gather3A_203, %gather3A_203 : vector<16xf32>
            %add3A_205 = arith.addf %add3A_193, %mul3A_204 : vector<16xf32>
            %mul3A_206 = arith.constant 4 : i32
            %mul3A_207 = arith.muli %scan3A_169, %mul3A_206 : i32
            %add3A_208 = arith.constant 3 : i32
            %add3A_209 = arith.addi %mul3A_207, %add3A_208 : i32
            %add3A_210 = vector.broadcast %add3A_209 : i32 to vector<16xi32>
            %add3A_211 = arith.addi %iota3A, %add3A_210 : vector<16xi32>
            %and3A_212 = arith.constant 127 : i32
            %and3A_213 = vector.broadcast %and3A_212 : i32 to vector<16xi32>
            %and3A_214 = arith.andi %add3A_211, %and3A_213 : vector<16xi32>
            %gather3A_215 = tpu.vector_load_idx %arg11[%add3A_122, %and3A_214] : memref<160x128xf32, #tpu.memory_space<vmem>>[vector<16xi32>, vector<16xi32>], vector<16xf32>,
            %mul3A_216 = arith.mulf %gather3A_215, %gather3A_215 : vector<16xf32>
            %add3A_217 = arith.addf %add3A_205, %mul3A_216 : vector<16xf32>
            scf.yield %add3A_217 : vector<16xf32>
          }
          %scan3A_128 = arith.constant 32 : i32
          %bitcast3A = vector.bitcast %scan3A_127 : vector<16xf32> to vector<16xi32>
          %shift_right_arithmetic3A = arith.constant 1 : i32
          %shift_right_arithmetic3A_129 = vector.broadcast %shift_right_arithmetic3A : i32 to vector<16xi32>
          %shift_right_arithmetic3A_130 = arith.shrsi %bitcast3A, %shift_right_arithmetic3A_129 : vector<16xi32>
          %sub3A_131 = arith.constant 1597463007 : i32
          %sub3A_132 = vector.broadcast %sub3A_131 : i32 to vector<16xi32>
          %sub3A_133 = arith.subi %sub3A_132, %shift_right_arithmetic3A_130 : vector<16xi32>
          %bitcast3A_134 = vector.bitcast %sub3A_133 : vector<16xi32> to vector<16xf32>
          %mul3A_135 = arith.constant 5.000000e-01 : f32
          %mul3A_136 = vector.broadcast %mul3A_135 : f32 to vector<16xf32>
          %mul3A_137 = arith.mulf %mul3A_136, %scan3A_127 : vector<16xf32>
          %mul3A_138 = arith.mulf %mul3A_137, %bitcast3A_134 : vector<16xf32>
          %mul3A_139 = arith.mulf %mul3A_138, %bitcast3A_134 : vector<16xf32>
          %sub3A_140 = arith.constant 1.500000e+00 : f32
          %sub3A_141 = vector.broadcast %sub3A_140 : f32 to vector<16xf32>
          %sub3A_142 = arith.subf %sub3A_141, %mul3A_139 : vector<16xf32>
          %mul3A_143 = arith.mulf %bitcast3A_134, %sub3A_142 : vector<16xf32>
          %mul3A_144 = arith.constant 5.000000e-01 : f32
          %mul3A_145 = vector.broadcast %mul3A_144 : f32 to vector<16xf32>
          %mul3A_146 = arith.mulf %mul3A_145, %scan3A_127 : vector<16xf32>
          %mul3A_147 = arith.mulf %mul3A_146, %mul3A_143 : vector<16xf32>
          %mul3A_148 = arith.mulf %mul3A_147, %mul3A_143 : vector<16xf32>
          %sub3A_149 = arith.constant 1.500000e+00 : f32
          %sub3A_150 = vector.broadcast %sub3A_149 : f32 to vector<16xf32>
          %sub3A_151 = arith.subf %sub3A_150, %mul3A_148 : vector<16xf32>
          %mul3A_152 = arith.mulf %mul3A_143, %sub3A_151 : vector<16xf32>
          %mul3A_153 = arith.constant 5.000000e-01 : f32
          %mul3A_154 = vector.broadcast %mul3A_153 : f32 to vector<16xf32>
          %mul3A_155 = arith.mulf %mul3A_154, %scan3A_127 : vector<16xf32>
          %mul3A_156 = arith.mulf %mul3A_155, %mul3A_152 : vector<16xf32>
          %mul3A_157 = arith.mulf %mul3A_156, %mul3A_152 : vector<16xf32>
          %sub3A_158 = arith.constant 1.500000e+00 : f32
          %sub3A_159 = vector.broadcast %sub3A_158 : f32 to vector<16xf32>
          %sub3A_160 = arith.subf %sub3A_159, %mul3A_157 : vector<16xf32>
          %mul3A_161 = arith.mulf %mul3A_152, %sub3A_160 : vector<16xf32>
          %gt3A = arith.constant 0.000000e+00 : f32
          %gt3A_162 = vector.broadcast %gt3A : f32 to vector<16xf32>
          %gt3A_163 = arith.cmpf ogt, %scan3A_127, %gt3A_162 : vector<16xf32>
          %mul3A_164 = arith.mulf %scan3A_127, %mul3A_161 : vector<16xf32>
          %jit3A_165 = arith.constant 0.000000e+00 : f32
          %broadcast_in_dim3A_166 = vector.broadcast %jit3A_165 : f32 to vector<16xf32>
          %select_n3A_167 = arith.select %gt3A_163, %mul3A_164, %broadcast_in_dim3A_166 : vector<16xi1>, vector<16xf32>
          %add3A_168 = arith.addf %scan3A_112, %select_n3A_167 : vector<16xf32>
          scf.yield %add3A_120, %add3A_168 : vector<16xf32>, vector<16xf32>
        }
        %scan3A_95 = arith.constant 10 : i32
        %swap3A_96 = arith.constant 0 : i32
        %swap3A_97 = arith.index_cast %swap3A_96 : i32 to index
        %swap3A_98 = arith.constant 0 : index
        %swap3A_99 = tpu.vector_load %arg12[%swap3A_97, %swap3A_98] {strides = array<i32>} : memref<2x16xf32, #tpu.memory_space<vmem>>, vector<16xf32>,
        tpu.vector_store %arg12[%swap3A_97, %swap3A_98], %scan3A_94#0 {add = true, strides = array<i32>} : memref<2x16xf32, #tpu.memory_space<vmem>>, vector<16xf32>,
        %swap3A_100 = arith.constant 1 : i32
        %swap3A_101 = arith.index_cast %swap3A_100 : i32 to index
        %swap3A_102 = arith.constant 0 : index
        %swap3A_103 = tpu.vector_load %arg12[%swap3A_101, %swap3A_102] {strides = array<i32>} : memref<2x16xf32, #tpu.memory_space<vmem>>, vector<16xf32>,
        tpu.vector_store %arg12[%swap3A_101, %swap3A_102], %scan3A_94#1 {add = true, strides = array<i32>} : memref<2x16xf32, #tpu.memory_space<vmem>>, vector<16xf32>,
        %add3A_104 = arith.constant 2 : i32
        %add3A_105 = arith.addi %add3A_69, %add3A_104 : i32
        %lt3A_106 = arith.cmpi slt, %add3A_105, %select_n3A : i32
        %convert_element_type3A_107 = arith.extui %lt3A_106 : i1 to i32
        %cond3A_108 = arith.constant 0 : i32
        %cond3A_109 = arith.cmpi ne, %convert_element_type3A_107, %cond3A_108 : i32
        scf.if %cond3A_109 {
          %add3A_110 = arith.constant 64 : i32
          %add3A_111 = arith.addi %add3A_72, %add3A_110 : i32
          %mul3A_112 = arith.constant 160 : i32
          %mul3A_113 = arith.muli %add3A_111, %mul3A_112 : i32
          %dma_start3A_114 = tpu.memref_slice %arg2[%mul3A_113] : memref<100000xf32, #tpu.memory_space<hbm>> -> memref<160xf32, #tpu.memory_space<hbm>>
          %dma_start3A_115 = tpu.memref_slice %arg2[%mul3A_113] : memref<100000xf32, #tpu.memory_space<hbm>> -> memref<160xf32, #tpu.memory_space<hbm>>
          tpu.enqueue_dma source(%dma_start3A_115 : memref<160xf32, #tpu.memory_space<hbm>>) target(%arg7 : memref<160xf32, #tpu.memory_space<vmem>>) target_semaphore(%arg14 : memref<!tpu.dma_semaphore, #tpu.memory_space<semaphore_mem>>)
          %dma_start3A_116 = tpu.memref_slice %arg3[%mul3A_113] : memref<100000xf32, #tpu.memory_space<hbm>> -> memref<160xf32, #tpu.memory_space<hbm>>
          %dma_start3A_117 = tpu.memref_slice %arg3[%mul3A_113] : memref<100000xf32, #tpu.memory_space<hbm>> -> memref<160xf32, #tpu.memory_space<hbm>>
          tpu.enqueue_dma source(%dma_start3A_117 : memref<160xf32, #tpu.memory_space<hbm>>) target(%arg9 : memref<160xf32, #tpu.memory_space<vmem>>) target_semaphore(%arg14 : memref<!tpu.dma_semaphore, #tpu.memory_space<semaphore_mem>>)
          %dma_start3A_118 = arith.constant 0 : i32
          %dma_start3A_119 = tpu.memref_slice %arg4[%mul3A_113, %dma_start3A_118] : memref<100000x128xf32, #tpu.memory_space<hbm>> -> memref<160x128xf32, #tpu.memory_space<hbm>>
          %dma_start3A_120 = arith.constant 0 : i32
          %dma_start3A_121 = tpu.memref_slice %arg4[%mul3A_113, %dma_start3A_120] : memref<100000x128xf32, #tpu.memory_space<hbm>> -> memref<160x128xf32, #tpu.memory_space<hbm>>
          tpu.enqueue_dma source(%dma_start3A_121 : memref<160x128xf32, #tpu.memory_space<hbm>>) target(%arg11 : memref<160x128xf32, #tpu.memory_space<vmem>>) target_semaphore(%arg14 : memref<!tpu.dma_semaphore, #tpu.memory_space<semaphore_mem>>)
        } else {
        }
      } else {
      }
    }
    %scan3A_56 = arith.constant 10 : i32
    "tpu.region"() ({
      %run_scoped3A = tpu.sem_alloc : memref<!tpu.dma_semaphore, #tpu.memory_space<semaphore_mem>>
      %dma_start3A_57 = arith.constant 0 : i32
      %dma_start3A_58 = arith.constant 0 : i32
      %dma_start3A_59 = tpu.memref_slice %arg5[%add3A, %dma_start3A_57, %dma_start3A_58] : memref<32x2x16xf32, #tpu.memory_space<hbm>> -> memref<1x2x16xf32, #tpu.memory_space<hbm>>
      %dma_start3A_60 = tpu.memref_squeeze %dma_start3A_59 : memref<1x2x16xf32, #tpu.memory_space<hbm>> -> memref<2x16xf32, #tpu.memory_space<hbm>>
      %dma_start3A_61 = arith.constant 0 : i32
      %dma_start3A_62 = arith.constant 0 : i32
      %dma_start3A_63 = tpu.memref_slice %arg5[%add3A, %dma_start3A_61, %dma_start3A_62] : memref<32x2x16xf32, #tpu.memory_space<hbm>> -> memref<1x2x16xf32, #tpu.memory_space<hbm>>
      %dma_start3A_64 = tpu.memref_squeeze %dma_start3A_63 : memref<1x2x16xf32, #tpu.memory_space<hbm>> -> memref<2x16xf32, #tpu.memory_space<hbm>>
      tpu.enqueue_dma source(%arg12 : memref<2x16xf32, #tpu.memory_space<vmem>>) target(%dma_start3A_64 : memref<2x16xf32, #tpu.memory_space<hbm>>) target_semaphore(%run_scoped3A : memref<!tpu.dma_semaphore, #tpu.memory_space<semaphore_mem>>)
      %dma_wait3A = arith.constant 0 : i32
      %dma_wait3A_65 = arith.constant 0 : i32
      %dma_wait3A_66 = tpu.memref_slice %arg5[%add3A, %dma_wait3A, %dma_wait3A_65] : memref<32x2x16xf32, #tpu.memory_space<hbm>> -> memref<1x2x16xf32, #tpu.memory_space<hbm>>
      %dma_wait3A_67 = tpu.memref_squeeze %dma_wait3A_66 : memref<1x2x16xf32, #tpu.memory_space<hbm>> -> memref<2x16xf32, #tpu.memory_space<hbm>>
      %dma_wait3A_68 = arith.constant 0 : i32
      %dma_wait3A_69 = arith.constant 0 : i32
      %dma_wait3A_70 = tpu.memref_slice %arg5[%add3A, %dma_wait3A_68, %dma_wait3A_69] : memref<32x2x16xf32, #tpu.memory_space<hbm>> -> memref<1x2x16xf32, #tpu.memory_space<hbm>>
      %dma_wait3A_71 = tpu.memref_squeeze %dma_wait3A_70 : memref<1x2x16xf32, #tpu.memory_space<hbm>> -> memref<2x16xf32, #tpu.memory_space<hbm>>
      tpu.wait_dma2 semaphore(%run_scoped3A : memref<!tpu.dma_semaphore, #tpu.memory_space<semaphore_mem>>) src(%arg12 : memref<2x16xf32, #tpu.memory_space<vmem>>) dst(%dma_wait3A_71 : memref<2x16xf32, #tpu.memory_space<hbm>>)
      tpu.yield
    }) : () -> ()
    return
  }
}

module attributes {stable_mosaic.version = 14 : i64} {
  func.func @_hint_body(%arg0: i32, %arg1: memref<1x64xi32, #tpu.memory_space<vmem>>, %arg2: memref<1x2048xi32, #tpu.memory_space<vmem>>, %arg3: memref<64x2048xf32, #tpu.memory_space<vmem>>, %arg4: memref<64x2048xf32, #tpu.memory_space<vmem>>, %arg5: memref<1x1xf32, #tpu.memory_space<vmem>>) attributes {dimension_semantics = [#tpu.dimension_semantics<arbitrary>], iteration_bounds = array<i64: 49>, scalar_prefetch = 0 : i64, scratch_operands = 0 : i64, tpu.core_type = #tpu.core_type<tc>, window_params = [{pipeline_mode = #tpu.pipeline_mode<synchronous>, transform_indices = @transform_0, window_bounds = array<i64: 1, 64>}, {transform_indices = @transform_1, window_bounds = array<i64: 1, 2048>}, {transform_indices = @transform_2, window_bounds = array<i64: 64, 2048>}, {transform_indices = @transform_3, window_bounds = array<i64: 64, 2048>}, {pipeline_mode = #tpu.pipeline_mode<synchronous>, transform_indices = @transform_4, window_bounds = array<i64: 1, 1>}]} {
    %eq3A = arith.constant 0 : i32
    %eq3A_0 = arith.cmpi eq, %arg0, %eq3A : i32
    %convert_element_type3A = arith.extui %eq3A_0 : i1 to i32
    %cond3A = arith.constant 0 : i32
    %cond3A_1 = arith.cmpi ne, %convert_element_type3A, %cond3A : i32
    scf.if %cond3A_1 {
      %broadcast_in_dim3A_43 = arith.constant 0.000000e+00 : f32
      %broadcast_in_dim3A_44 = vector.broadcast %broadcast_in_dim3A_43 : f32 to vector<1x1xf32>
      %swap3A_45 = arith.constant 0 : index
      %swap3A_46 = arith.constant 0 : index
      %swap3A_47 = vector.load %arg5[%swap3A_45, %swap3A_46] : memref<1x1xf32, #tpu.memory_space<vmem>>, vector<1x1xf32>
      tpu.vector_store %arg5[%swap3A_45, %swap3A_46], %broadcast_in_dim3A_44 {strides = array<i32>} : memref<1x1xf32, #tpu.memory_space<vmem>>, vector<1x1xf32>,
    } else {
    }
    %get3A = arith.constant 0 : index
    %get3A_2 = arith.constant 0 : index
    %get3A_3 = vector.load %arg4[%get3A, %get3A_2] : memref<64x2048xf32, #tpu.memory_space<vmem>>, vector<64x2048xf32>
    %get3A_4 = arith.constant 0 : index
    %get3A_5 = arith.constant 0 : index
    %get3A_6 = vector.load %arg3[%get3A_4, %get3A_5] : memref<64x2048xf32, #tpu.memory_space<vmem>>, vector<64x2048xf32>
    %sub3A = arith.subf %get3A_3, %get3A_6 : vector<64x2048xf32>
    %mul3A = arith.constant 2048 : i32
    %mul3A_7 = arith.muli %arg0, %mul3A : i32
    %iota3A = tpu.iota {dimensions = array<i32: 1>} : vector<64x2048xi32>
    %add3A = vector.broadcast %mul3A_7 : i32 to vector<64x2048xi32>
    %add3A_8 = arith.addi %add3A, %iota3A : vector<64x2048xi32>
    %lt3A = arith.constant 100000 : i32
    %lt3A_9 = vector.broadcast %lt3A : i32 to vector<64x2048xi32>
    %lt3A_10 = arith.cmpi slt, %add3A_8, %lt3A_9 : vector<64x2048xi32>
    %mul3A_11 = arith.mulf %sub3A, %sub3A : vector<64x2048xf32>
    %jit3A = arith.constant 0.000000e+00 : f32
    %broadcast_in_dim3A = vector.broadcast %jit3A : f32 to vector<64x2048xf32>
    %select_n3A = arith.select %lt3A_10, %mul3A_11, %broadcast_in_dim3A : vector<64x2048xi1>, vector<64x2048xf32>
    %get3A_12 = arith.constant 0 : index
    %get3A_13 = arith.constant 0 : index
    %get3A_14 = vector.load %arg2[%get3A_12, %get3A_13] : memref<1x2048xi32, #tpu.memory_space<vmem>>, vector<1x2048xi32>
    %iota3A_15 = tpu.iota {dimensions = array<i32: 0>} : vector<64x2048xi32>
    %broadcast_in_dim3A_16 = vector.shape_cast %get3A_14 : vector<1x2048xi32> to vector<1x2048xi32>
    %broadcast_in_dim3A_17 = vector.broadcast %broadcast_in_dim3A_16 : vector<1x2048xi32> to vector<64x2048xi32>
    %eq3A_18 = arith.cmpi eq, %iota3A_15, %broadcast_in_dim3A_17 : vector<64x2048xi32>
    %convert_element_type3A_19 = arith.extui %eq3A_18 : vector<64x2048xi1> to vector<64x2048xi32>
    %convert_element_type3A_20 = arith.sitofp %convert_element_type3A_19 : vector<64x2048xi32> to vector<64x2048xf32>
    %dot_general3A = arith.constant dense<0.000000e+00> : vector<64x64xf32>
    %dot_general3A_21 = tpu.matmul %select_n3A, %convert_element_type3A_20, %dot_general3A {dimension_numbers = #tpu.dot_dimension_numbers<[1], [1], [0], [0], [0, 0, 1, 0], [], []>, precision = #tpu.contract_precision<fp32>, transpose_lhs_hint = false} : vector<64x2048xf32>, vector<64x2048xf32>, vector<64x64xf32> -> vector<64x64xf32>
    %get3A_22 = arith.constant 0 : index
    %get3A_23 = arith.constant 0 : index
    %get3A_24 = vector.load %arg1[%get3A_22, %get3A_23] : memref<1x64xi32, #tpu.memory_space<vmem>>, vector<1x64xi32>
    %iota3A_25 = tpu.iota {dimensions = array<i32: 0>} : vector<64x64xi32>
    %broadcast_in_dim3A_26 = vector.shape_cast %get3A_24 : vector<1x64xi32> to vector<1x64xi32>
    %broadcast_in_dim3A_27 = vector.broadcast %broadcast_in_dim3A_26 : vector<1x64xi32> to vector<64x64xi32>
    %lt3A_28 = arith.cmpi slt, %iota3A_25, %broadcast_in_dim3A_27 : vector<64x64xi32>
    %convert_element_type3A_29 = arith.extui %lt3A_28 : vector<64x64xi1> to vector<64x64xi32>
    %convert_element_type3A_30 = arith.sitofp %convert_element_type3A_29 : vector<64x64xi32> to vector<64x64xf32>
    %get3A_31 = arith.constant 0 : index
    %get3A_32 = arith.constant 0 : index
    %get3A_33 = vector.load %arg5[%get3A_31, %get3A_32] : memref<1x1xf32, #tpu.memory_space<vmem>>, vector<1x1xf32>
    %mul3A_34 = arith.mulf %dot_general3A_21, %convert_element_type3A_30 : vector<64x64xf32>
    %reduce_sum3A = vector.shape_cast %mul3A_34 : vector<64x64xf32> to vector<1x64x64xf32>
    %reduce_sum3A_35 = arith.constant dense<0.000000e+00> : vector<1xf32>
    %reduce_sum3A_36 = vector.multi_reduction <add>, %reduce_sum3A, %reduce_sum3A_35 [1, 2] : vector<1x64x64xf32> to vector<1xf32>
    %reduce_sum3A_37 = vector.shape_cast %reduce_sum3A_36 : vector<1xf32> to vector<1x1x1xf32>
    %reduce_sum3A_38 = vector.extract %reduce_sum3A_37[0, 0, 0] : f32 from vector<1x1x1xf32>
    %broadcast_in_dim3A_39 = vector.broadcast %reduce_sum3A_38 : f32 to vector<1x1xf32>
    %add3A_40 = arith.addf %get3A_33, %broadcast_in_dim3A_39 : vector<1x1xf32>
    %swap3A = arith.constant 0 : index
    %swap3A_41 = arith.constant 0 : index
    %swap3A_42 = vector.load %arg5[%swap3A, %swap3A_41] : memref<1x1xf32, #tpu.memory_space<vmem>>, vector<1x1xf32>
    tpu.vector_store %arg5[%swap3A, %swap3A_41], %add3A_40 {strides = array<i32>} : memref<1x1xf32, #tpu.memory_space<vmem>>, vector<1x1xf32>,
    return
  }
  func.func @transform_0(%arg0: i32) -> (i32, i32) {
    %c0_i32 = arith.constant 0 : i32
    %c0_i32_0 = arith.constant 0 : i32
    %c0_i32_1 = arith.constant 0 : i32
    return %c0_i32, %c0_i32_0 : i32, i32
  }
  func.func @transform_1(%arg0: i32) -> (i32, i32) {
    %c0_i32 = arith.constant 0 : i32
    %c0_i32_0 = arith.constant 0 : i32
    return %c0_i32, %arg0 : i32, i32
  }
  func.func @transform_2(%arg0: i32) -> (i32, i32) {
    %c0_i32 = arith.constant 0 : i32
    %c0_i32_0 = arith.constant 0 : i32
    return %c0_i32, %arg0 : i32, i32
  }
  func.func @transform_3(%arg0: i32) -> (i32, i32) {
    %c0_i32 = arith.constant 0 : i32
    %c0_i32_0 = arith.constant 0 : i32
    return %c0_i32, %arg0 : i32, i32
  }
  func.func @transform_4(%arg0: i32) -> (i32, i32) {
    %c0_i32 = arith.constant 0 : i32
    %c0_i32_0 = arith.constant 0 : i32
    %c0_i32_1 = arith.constant 0 : i32
    return %c0_i32, %c0_i32_0 : i32, i32
  }
}

</mosaic_0001>

<sc_bundles>
// kernel: kernel.4.cloned.1.call-start
scs
__scs_entry_jumppad:
0x0: {  	(pc) =	sbr.rel $0x88, $3  }
0x1: {  	(tag) =	ssettag $0x0;
	lr =	simm.s32 $0x1  }
0x2: {  	[smem:$0x3F9A] =	sst lr;
	_ =	strace $0xD0000000  }
0x3: {  	_ = 	snop  }
0x4: {  	_ = 	snop  }
0x5: {  	_ = 	snop  }
0x6: {  	_ = 	snop  }
0x7: {  	_ = 	snop  }
__scs_overlays_trampoline_lowered:
0x8: {  	[smem:$0x3FA9] =	sst s0  }
0x9: {  	[smem:$0x3FAA] =	sst s1  }
0xa: {  	[smem:$0x3FAB] =	sst s2  }
0xb: {  	[smem:$0x3FAC] =	sst s3  }
0xc: {  	[smem:$0x3FAD] =	sst s4  }
0xd: {  	[smem:$0x3FAE] =	sst s5  }
0xe: {  	[smem:$0x3FAF] =	sst s6  }
0xf: {  	[smem:$0x3FB0] =	sst s7  }
0x10: {  	[smem:$0x3FB1] =	sst s8  }
0x11: {  	[smem:$0x3FB2] =	sst s9;
	s0 =	simm.s32 @!p0 $0x0  }
0x12: {  	s1 =	sld [smem:$0x3F98];
	s0 =	simm.s32 @p0 $0x1  }
0x13: {  	[smem:$0x3FB3] =	sst s0;
	s0 =	simm.s32 @!p1 $0x0  }
0x14: {  	s2 =	sld [smem:$0x3F97];
	s0 =	simm.s32 @p1 $0x1  }
0x15: {  	[smem:$0x3FB4] =	sst s0;
	s0 =	simm.s32 @!p2 $0x0  }
0x16: {  	s3 =	sld [smem:$0x3FDB];
	s0 =	simm.s32 @p2 $0x1  }
0x17: {  	s4 =	simm.s32 $0x1BF5;
	[smem:$0x3FB6] =	sst s0  }
0x18: {  	s0 =	sld [smem:$0x3F99];
	_ =	swait.ge [sflag:s4], $0x0  }
0x19: {  	s7 =	sld [smem:$0x3F9A]  }
0x1a: {  	s8 =	sadd.s32 $0xFFFFE003, lr  }
0x1b: {  	s9 =	sadd.s32 $0xFFFFFEF7, lr;
	s5 =	simm.s32 $0xFFFFFFFF;
	p2 =	slt.u32 s8, $0xFFFFF086  }
0x1c: {  	p1 =	slt.u32 s9, $0xF7A;
	s5 =	simm.s32 @!p2 $0x0  }
0x1d: {  	s5 =	simm.s32 @p1 $0x1;
	p0 =	seq.s32 s7, s2  }
0x1e: {  	s7 =	smul.u32 @!p0 $0xF7A, s2;
	p2 =	seq.s32 @!p0 s5, $0x0  }
0x1f: {  	s9 =	smul.u32 $0xF7A, s1;
	s8 =	simm.s32 @!p0 $0x1BF5;
	p2 =	por !p2, p0  }
0x20: {  	[sflag:s8] =	ssyncset.s32 @!p0 $0xFFFFF086;
	s6 =	sadd.s32 @!p0 s3, s7;
	s7 =	simm.s32 @!p0 $0x108  }
0x21: {  	s3 =	sadd.s32 s3, s9;
	s6 =	sadd.s32 @!p0 $0x88, s6;
	s7 =	simm.s32 @p2 $0x1082  }
0x22: {  	[simem:s7], [sflag:s8] =	dma.local @!p0 [hbm:s6], $0xF7A  }
0x23: {  	s9 =	sor.u32 $0xD0000000, s2;
	s6 =	simm.s32 $0x108;
	_ =	swait.ge @!p0 [sflag:s8], $0x0  }
0x24: {  	s3 =	sadd.s32 $0x88, s3;
	s6 =	simm.s32 @!p1 $0x1082;
	[sflag:s4] =	ssyncset.s32 $0xFFFFF086  }
0x25: {  	[simem:s6], [sflag:s4] =	dma.local [hbm:s3], $0xF7A  }
0x26: {  	[smem:$0x3F9A] =	sst s1;
	(tag) =	ssettag s2;
	_ =	strace s9  }
0x27: {  	s1 =	sld [smem:$0x3FAA]  }
0x28: {  	s2 =	sld [smem:$0x3FAB]  }
0x29: {  	s4 =	sld [smem:$0x3FAD]  }
0x2a: {  	p0 =	seq.s32 s5, $0x0;
	s5 =	sld [smem:$0x3FAE]  }
0x2b: {  	s6 =	sld [smem:$0x3FAF]  }
0x2c: {  	s7 =	sld [smem:$0x3FB0]  }
0x2d: {  	s3 =	simm.s32 $0x108;
	s8 =	sld [smem:$0x3FB1]  }
0x2e: {  	s3 =	simm.s32 @!p0 $0x1082;
	s9 =	sld [smem:$0x3FB2]  }
0x2f: {  	lr =	sadd.s32 s0, s3;
	s0 =	sld [smem:$0x3FA9]  }
0x30: {  	s3 =	sld [smem:$0x3FAC]  }
0x31: {  	[smem:$0x3FB5] =	sst s10  }
0x32: {  	s10 =	sld [smem:$0x3FB3];
	_ =	sdelay $0x3  }
0x33: {  	p0 =	seq.s32 s10, $0x1;
	s10 =	sld [smem:$0x3FB5];
	_ =	sdelay $0x3  }
0x34: {  	[smem:$0x3FB5] =	sst s10  }
0x35: {  	s10 =	sld [smem:$0x3FB4];
	_ =	sdelay $0x3  }
0x36: {  	p1 =	seq.s32 s10, $0x1;
	s10 =	sld [smem:$0x3FB5];
	_ =	sdelay $0x3  }
0x37: {  	[smem:$0x3FB5] =	sst s10  }
0x38: {  	s10 =	sld [smem:$0x3FB6]  }
0x39: {  	_ = 	snop;
	(pc) =	sbr.ind lr, $3  }
0x3a: {  	_ = 	snop  }
0x3b: {  	_ = 	snop  }
0x3c: {  	p2 =	seq.s32 s10, $0x1;
	s10 =	sld [smem:$0x3FB5]  }
0x3d: {  	_ =	shalt  }
0x3e: {  	_ =	shalt  }
0x3f: {  	_ =	shalt  }
0x40: {  	_ =	shalt  }
0x41: {  	_ =	shalt  }
0x42: {  	_ =	shalt  }
0x43: {  	_ =	shalt  }
0x44: {  	_ =	shalt  }
0x45: {  	_ =	shalt  }
0x46: {  	_ =	shalt  }
0x47: {  	_ =	shalt  }
0x48: {  	_ =	shalt  }
0x49: {  	_ =	shalt  }
0x4a: {  	_ =	shalt  }
0x4b: {  	_ =	shalt  }
0x4c: {  	_ =	shalt  }
0x4d: {  	_ =	shalt  }
0x4e: {  	_ =	shalt  }
0x4f: {  	_ =	shalt  }
0x50: {  	_ =	shalt  }
0x51: {  	_ =	shalt  }
0x52: {  	_ =	shalt  }
0x53: {  	_ =	shalt  }
0x54: {  	_ =	shalt  }
0x55: {  	_ =	shalt  }
0x56: {  	_ =	shalt  }
0x57: {  	_ =	shalt  }
0x58: {  	_ =	shalt  }
0x59: {  	_ =	shalt  }
0x5a: {  	_ =	shalt  }
0x5b: {  	_ =	shalt  }
0x5c: {  	_ =	shalt  }
0x5d: {  	_ =	shalt  }
0x5e: {  	_ =	shalt  }
0x5f: {  	_ =	shalt  }
0x60: {  	_ =	shalt  }
0x61: {  	_ =	shalt  }
0x62: {  	_ =	shalt  }
0x63: {  	_ =	shalt  }
0x64: {  	_ =	shalt  }
0x65: {  	_ =	shalt  }
0x66: {  	_ =	shalt  }
0x67: {  	_ =	shalt  }
0x68: {  	_ =	shalt  }
0x69: {  	_ =	shalt  }
0x6a: {  	_ =	shalt  }
0x6b: {  	_ =	shalt  }
0x6c: {  	_ =	shalt  }
0x6d: {  	_ =	shalt  }
0x6e: {  	_ =	shalt  }
0x6f: {  	_ =	shalt  }
0x70: {  	_ =	shalt  }
0x71: {  	_ =	shalt  }
0x72: {  	_ =	shalt  }
0x73: {  	_ =	shalt  }
0x74: {  	_ =	shalt  }
0x75: {  	_ =	shalt  }
0x76: {  	_ =	shalt  }
0x77: {  	_ =	shalt  }
0x78: {  	_ =	shalt  }
0x79: {  	_ =	shalt  }
0x7a: {  	_ =	shalt  }
0x7b: {  	_ =	shalt  }
0x7c: {  	_ =	shalt  }
0x7d: {  	_ =	shalt  }
0x7e: {  	_ =	shalt  }
0x7f: {  	_ =	shalt  }
0x80: {  	_ =	shalt  }
0x81: {  	_ =	shalt  }
0x82: {  	_ =	shalt  }
0x83: {  	_ =	shalt  }
0x84: {  	_ =	shalt  }
0x85: {  	_ =	shalt  }
0x86: {  	_ =	shalt  }
0x87: {  	_ =	shalt  }
.Lfunc_end0:
.L_simem_size_0:
called_computation_lowered:
.L_overlay_start_0:
0x88: {  	s2 =	sld [smem:$0x3FD9]  }
0x89: {  	s3 =	sld [smem:$0x3FFE];
	_ =	sdelay $0x1  }
0x8a: {  	s1 =	srdreg.scid  }
0x8b: {  	s0 =	sand.u32 $0x1, s1  }
0x8c: {  	s17 =	sshll.u32 s0, $0xA;
	s2 =	sadd.s32 s3, s2  }
0x8d: {  	s2 =	sadd.s32 s2, s17  }
0x8e: {  	[smem:$0x3FC1] =	sst s2  }
0x8f: {  	_ = 	snop  }
0x90: {  	s2 =	sld [smem:$0x3FC9]  }
0x91: {  	s18 =	sld [smem:$0x3FC8]  }
0x92: {  	s4 =	sld [smem:$0x3FC5];
	(tm) =	ssettm $0x1  }
0x93: {  	s5 =	sld [smem:$0x3FFB];
	_ =	sdelay $0x3  }
0x94: {  	_ =	strace s5  }
0x95: {  	s5 =	sld [smem:$0x3FFC];
	_ =	sdelay $0x3  }
0x96: {  	_ =	strace s5  }
0x97: {  	s5 =	sld [smem:$0x3FFD];
	_ =	sdelay $0x3  }
0x98: {  	_ =	strace s5  }
0x99: {  	_ =	strace $0x8FFFFFFF  }
0x9a: {  	s19 =	sld [smem:$0x3FDB];
	_ =	sdelay $0x1  }
0x9b: {  	s6 =	simm.s32 $_scs_section_size  }
0x9c: {  	s7 =	simm.s32 $_size__tile_overlayer_lowered;
	s8 =	simm.s32 $_tile_overlayer_lowered  }
0x9d: {  	s22 =	simm.s32 $0x1BFF;
	s21 =	sshll.u32 s8, $0x1;
	s5 =	sadd.s32 s6, s19  }
0x9e: {  	s9 =	simm.s32 $0x0;
	s20 =	sshll.u32 s7, $0x1;
	s7 =	sadd.s32 s21, s5  }
0x9f: {  	[timem:s9], [sflag:s22] =	dma.local [hbm:s7], s20  }
0xa0: {  	_ =	swait.ge [sflag:s22], s20  }
0xa1: {  	s6 =	ssub.s32 $0x0, s20;
	[sflag:s22] =	ssyncset.done $0x0  }
0xa2: {  	[sflag:s22] =	ssyncadd.s32 s6;
	_ =	sdelay $0x1  }
0xa3: {  	s23 =	simm.s32 $0x1B8B  }
0xa4: {  	_ =	swait.ge [sflag:s23], $0x1  }
0xa5: {  	[sflag:s23] =	ssyncset.done $0x0  }
0xa6: {  	s25 =	simm.s32 $0x1B8E;
	s24 =	sld [smem:$0x3FFE];
	[sflag:s23] =	ssyncadd.s32 $0xFFFFFFFF  }
0xa7: {  	s26 =	simm.s32 $execute0_lowered;
	[smem:$0x3FD2] =	sst s25  }
0xa8: {  	s7 =	sshll.u32 s26, $0x1;
	_ =	strace $0x80000046;
	[dreg:$0x1] =	wrdreg $0xFFFFFFFF  }
0xa9: {  	s28 =	simm.s32 $_size_execute0_lowered;
	s5 =	sadd.s32 s5, s7;
	[dreg:$0x0] =	wrdreg $0x0  }
0xaa: {  	s7 =	sshll.u32 s28, $0x1;
	[dreg:$0x2] =	wrdreg s5  }
0xab: {  	[dreg:$0x3] =	wrdreg s7  }
0xac: {  	[dreg:$0x4] =	wrdreg $0xC0  }
0xad: {  	_ =	task [dreg:s9], $0x5FFFF  }
0xae: {  	[dreg:$0x1] =	wrdreg $0xFFFFFFFF  }
0xaf: {  	[dreg:$0x0] =	wrdreg $0x60  }
0xb0: {  	[dreg:$0x2] =	wrdreg s2  }
0xb1: {  	[dreg:$0x3] =	wrdreg s18  }
0xb2: {  	[dreg:$0x4] =	wrdreg s4  }
0xb3: {  	[dreg:$0x5] =	wrdreg s24  }
0xb4: {  	[dreg:$0x6] =	wrdreg $0x9  }
0xb5: {  	_ =	task.clear_ibuf [dreg:s9], $0x7FFFF;
	_ =	strace $0x90000046  }
0xb6: {  	s29 =	simm.s32 $0x9;
	_ =	strace $0x80000048  }
0xb7: {  	_ =	swait.ge [sflag:s29], $0x1  }
0xb8: {  	[sflag:s29] =	ssyncadd.s32 $0xFFFFFFFF  }
0xb9: {  	_ =	strace $0x90000048  }
0xba: {  	_ =	sfence  }
0xbb: {  	s30 =	sld [smem:$0x0];
	_ =	sdelay $0x2  }
0xbc: {  	s31 =	sshll.u32 s1, $0xD;
	s1 =	sshrl.u32 s1, $0x2  }
0xbd: {  	s3 =	sand.u32 $0x4000, s31;
	s1 =	sadd.s32 s1, s30  }
0xbe: {  	s0 =	sor.u32 s3, s0;
	s1 =	sshll.u32 s1, $0x11  }
0xbf: {  	s0 =	sor.u32 s1, s0  }
0xc0: {  	s0 =	sadd.s32 $0x8F2B, s0  }
0xc1: {  	[sflag:s0] =	ssyncadd.remote.s32 $0x1  }
0xc2: {  	_ =	sfence.sel $0xFFFF  }
0xc3: {  	[dreg:$0x0] =	wrdreg $0xFFFFFFFF;
	(pc) =	sbr.abs _section_cstart, $3  }
0xc4: {  	[dreg:$0x1] =	wrdreg $0xFFFFFFFF  }
0xc5: {  	_ =	task.clear_ibuf [dreg:s9], $0x2FFFF;
	_ =	strace $0x9FFFFFFF  }
0xc6: {  	(tm) =	ssettm $0x7FFFFFFF  }
0xc7: {  	_ =	shalt  }
tec
execute0_lowered:
.L_overlay_start_1:
0x0: {  	(tag) =	ssettag $0x1  }
0x1: {  	s1 =	rddreg [dreg:$0x0]  }
0x2: {  	s2 =	rddreg [dreg:$0x1]  }
0x3: {  	s4 =	rddreg [dreg:$0x2]  }
0x4: {  	s0 =	rddreg [dreg:$0x3]  }
0x5: {  	s3 =	srdreg.scid;
	s6 =	stileid.u32  }
0x6: {  	s5 =	simm.s32 $0x0;
	s19 =	simm.s32 $0x400;
	s22 =	simm.s32 $0x5400  }
0x7: {  	s23 =	simm.s32 $0x1;
	s24 =	simm.s32 $0xA400;
	s25 =	simm.s32 $0xA480  }
0x8: {  	s26 =	simm.s32 $0x2;
	s3 =	sand.u32 $0x1, s3;
	s6 =	sshll.u32 s6, $0x1  }
0x9: {  	s28 =	simm.s32 $0x3;
	[smem:$0x7FF] =	sst s5;
	s6 =	sor.u32 s3, s6  }
0xa: {  	s29 =	simm.s32 $0x0;
	_ =	strace $0x80000047;
	s9 =	smul.u32 $0x14, s6  }
0xb: {  	s3 =	ssub.s32 $0x2, s3;
	s7 =	sshll.u32 s6, $0x5;
	s10 =	smul.u32 $0xA0, s6  }
0xc: {  	s30 =	sshrl.u32 s3, $0x1;
	s8 =	ssub.s32 $0x290, s6;
	s11 =	smul.u32 $0xA00, s6  }
0xd: {  	s0 =	sadd.s32 s7, s0;
	s3 =	ssub.s32 s3, s30;
	s7 =	sshrl.u32 s8, $0x5  }
.Ltmp0:
0xe: {  	s31 =	sadd.s32 s1, s9;
	s9 =	sadd.s32 s2, s9;
	(pc) =	sbr.rel .LBB2_1-.Ltmp0, $4  }
0xf: {  	s12 =	sadd.s32 $0x1400, s10;
	s10 =	sadd.s32 s4, s11;
	s15 =	sadd.s32 $0xFFFFFFFD, s7  }
0x10: {  	s16 =	sadd.s32 $0x600, s0;
	s17 =	smax.u32 s3, $0x1;
	s13 =	sshrl.u32 s12, $0x3  }
0x11: {  	v0 =	vlaneseq.u32;
	[dreg:$0x5] =	wrdreg s31;
	s14 =	sshll.u32 s12, $0x4;
	s11 =	sadd.s32 s1, s13  }
0x12: {  	v1 =	vimm.f32 $0.0e+00;
	v2 =	vmul.u32 $0x80, v0;
	s12 =	sadd.s32 s2, s13;
	s13 =	sadd.s32 s4, s14;
	s14 =	sadd.s32 $0xFFFFFFFE, s7  }
.LBB2_13:
0x13: {  	s29 =	sadd.s32 $0x1, s29  }
0x14: {  	p0 =	sne.s32 s29, s17  }
.Ltmp1:
0x15: {  	_ = 	snop;
	(pc) =	sbr.rel @!p0 .LBB2_14-.Ltmp1, $4  }
0x16: {  	[hbm4b:s16+s5] =	stream.linear.scatter [tilespmem:s24], [sflag:$0x3], $0x100, $0x38;
	[tilespmem:$0xA500] =	vst v63  }
0x17: {  	_ =	swait.ge [sflag:s28], $0x100  }
0x18: {  	[sflag:s28] =	ssyncset.done $0x0  }
0x19: {  	[sflag:s28] =	ssyncadd.s32 $0xFFFFFF00  }
.LBB2_1:
0x1a: {  	[tilespmem:$0xA400] =	vst v1  }
0x1b: {  	[tilespmem:$0xA480] =	vst v1;
	s0 =	rddreg [dreg:$0x5]  }
0x1c: {  	[tilespmem:s5], [sflag:$0x1] =	stream.linear.gather [hbm4b:s0+s5], $0xA0, $0x38;
	[tilespmem:$0xA500] =	vst v63  }
0x1d: {  	s20 =	simm.s32 $0x200  }
0x1e: {  	[tilespmem:s20], [sflag:$0x1] =	stream.linear.gather [hbm4b:s9+s5], $0xA0, $0x38;
	[tilespmem:$0xA500] =	vst v63  }
0x1f: {  	_ = 	snop  }
0x20: {  	[tilespmem:s19], [sflag:$0x1] =	stream.linear.gather [hbm4b:s10+s5], $0x5000, $0x38;
	[tilespmem:$0xA500] =	vst v63  }
0x21: {  	s21 =	simm.s32 $0x100  }
0x22: {  	[tilespmem:s21], [sflag:$0x2] =	stream.linear.gather [hbm4b:s11+s5], $0xA0, $0x38;
	[tilespmem:$0xA500] =	vst v63  }
.Ltmp2:
0x23: {  	_ = 	snop;
	(pc) =	sbr.rel .LBB2_2-.Ltmp2, $4  }
0x24: {  	s31 =	simm.s32 $0x300  }
0x25: {  	[tilespmem:s31], [sflag:$0x2] =	stream.linear.gather [hbm4b:s12+s5], $0xA0, $0x38;
	[tilespmem:$0xA500] =	vst v63  }
0x26: {  	s30 =	simm.s32 $0x0  }
0x27: {  	[tilespmem:s22], [sflag:$0x2] =	stream.linear.gather [hbm4b:s13+s5], $0x5000, $0x38;
	[tilespmem:$0xA500] =	vst v63  }
.LBB2_12:
0x28: {  	s30 =	sadd.s32 $0x1, s30  }
0x29: {  	p0 =	sne.s32 s30, $0xA  }
.Ltmp3:
0x2a: {  	_ = 	snop;
	(pc) =	sbr.rel @!p0 .LBB2_13-.Ltmp3, $1  }
0x2b: {  	_ =	sdelay $0x3  }
.LBB2_2:
0x2c: {  	_ =	swait.ge [sflag:s23], $0xA0  }
0x2d: {  	[sflag:s23] =	ssyncset.done $0x0  }
0x2e: {  	[sflag:s23] =	ssyncadd.s32 $0xFFFFFF60  }
0x2f: {  	_ =	swait.ge [sflag:s23], $0xA0  }
0x30: {  	[sflag:s23] =	ssyncset.done $0x0  }
0x31: {  	[sflag:s23] =	ssyncadd.s32 $0xFFFFFF60  }
0x32: {  	s0 =	sshll.u32 s30, $0x6;
	_ =	swait.ge [sflag:s23], $0x5000  }
0x33: {  	s31 =	sshll.u32 s30, $0x1;
	s3 =	simm.s32 $0x0;
	[sflag:s23] =	ssyncset.done $0x0  }
0x34: {  	v5 =	vimm.f32 $0.0e+00;
	v3 =	vimm.f32 $0.0e+00;
	v4 =	vimm.f32 $0.0e+00;
	s18 =	simm.s32 $0x0;
	s0 =	sor.u32 s6, s0;
	[sflag:s23] =	ssyncadd.s32 $0xFFFFB000  }
.LBB2_3:
0x35: {  	s20 =	sshll.u32 s18, $0x4  }
0x36: {  	v6 =	vmov s20  }
0x37: {  	v7 =	vadd.s32 s3, v0;
	v6 =	vshll.u32 v6, $0x7  }
0x38: {  	v8 =	vor.u32 v2, v6;
	v6 =	vand.u32 $0x7F, v7  }
0x39: {  	s21 =	simm.s32 $0x1;
	v6 =	vor.u32 v8, v6  }
0x3a: {  	v7 =	vadd.s32 s21, v0  }
0x3b: {  	s8 =	simm.s32 $0x2;
	v7 =	vand.u32 $0x7F, v7  }
0x3c: {  	v9 =	vadd.s32 s8, v0;
	v7 =	vor.u32 v8, v7  }
0x3d: {  	s8 =	simm.s32 $0x3;
	v9 =	vand.u32 $0x7F, v9  }
0x3e: {  	v10 =	vadd.s32 s8, v0;
	s8 =	simm.s32 $0x4;
	v9 =	vor.u32 v8, v9;
	v11 =	vld.idx.msk [tilespmem:v6+s19+$0x0], $0xffff  }
0x3f: {  	v6 =	vand.u32 $0x7F, v10;
	v10 =	vadd.s32 s8, v0  }
0x40: {  	s8 =	simm.s32 $0x5;
	v12 =	vor.u32 v8, v6;
	v6 =	vand.u32 $0x7F, v10  }
0x41: {  	v13 =	vld.idx.msk [tilespmem:v7+s19+$0x0], $0xffff;
	v10 =	vadd.s32 s8, v0;
	v16 =	vor.u32 v8, v6  }
0x42: {  	s8 =	simm.s32 $0x6;
	v7 =	vld [tilespmem:s20+$0x200];
	v10 =	vand.u32 $0x7F, v10  }
0x43: {  	v15 =	vadd.s32 s8, v0;
	v14 =	vor.u32 v8, v10;
	v17 =	vmul.f32 v11, v11;
	v11 =	vld.idx.msk [tilespmem:v9+s19+$0x0], $0xffff  }
0x44: {  	s21 =	simm.s32 $0x7;
	v6 =	vld [tilespmem:s20+$0x0];
	v9 =	vand.u32 $0x7F, v15  }
0x45: {  	v15 =	vadd.s32 s21, v0;
	v10 =	vld.idx.msk [tilespmem:v12+s19+$0x0], $0xffff;
	v12 =	vor.u32 v8, v9  }
0x46: {  	s20 =	simm.s32 $0x8;
	v18 =	vand.u32 $0x7F, v15;
	v15 =	vadd.f32 v17, v5;
	v9 =	vld.idx.msk [tilespmem:v16+s19+$0x0], $0xffff;
	v16 =	vmul.f32 v13, v13  }
0x47: {  	s21 =	simm.s32 $0xC;
	v17 =	vadd.s32 s20, v0;
	v13 =	vor.u32 v8, v18  }
.LBB2_4:
0x48: {  	p0 =	sne.s32 s21, $0x7C;
	v17 =	vand.u32 $0x7F, v17;
	s8 =	sadd.s32 $0x1, s20;
	v18 =	vld.idx.msk [tilespmem:v14+s19+$0x0], $0xffff;
	v14 =	vadd.f32 v16, v15;
	v15 =	vmul.f32 v11, v11  }
0x49: {  	v16 =	vor.u32 v8, v17;
	v11 =	vadd.s32 s8, v0  }
0x4a: {  	s8 =	sadd.s32 $0x2, s20;
	v17 =	vand.u32 $0x7F, v11;
	v11 =	vld.idx.msk [tilespmem:v12+s19+$0x0], $0xffff;
	v12 =	vadd.f32 v15, v14;
	v15 =	vmul.f32 v10, v10  }
.Ltmp4:
0x4b: {  	v10 =	vadd.s32 s8, v0;
	v14 =	vor.u32 v8, v17;
	(pc) =	sbr.rel @p0 .LBB2_4-.Ltmp4, $4  }
0x4c: {  	s8 =	sadd.s32 $0x3, s20;
	s20 =	smov.u32 s21;
	v17 =	vand.u32 $0x7F, v10;
	v19 =	vmul.f32 v9, v9;
	v10 =	vld.idx.msk [tilespmem:v13+s19+$0x0], $0xffff;
	v13 =	vadd.f32 v15, v12  }
0x4d: {  	v12 =	vor.u32 v8, v17;
	v15 =	vadd.s32 s8, v0  }
0x4e: {  	v20 =	vand.u32 $0x7F, v15;
	v9 =	vld.idx.msk [tilespmem:v16+s19+$0x0], $0xffff;
	v15 =	vadd.f32 v19, v13;
	v16 =	vmul.f32 v18, v18  }
0x4f: {  	s21 =	sadd.s32 $0x4, s21;
	v17 =	vadd.s32 s20, v0;
	v13 =	vor.u32 v8, v20  }
0x50: {  	_ =	sdelay $0x2  }
0x51: {  	v17 =	vand.u32 $0x7F, v17;
	v15 =	vadd.f32 v16, v15;
	v11 =	vmul.f32 v11, v11  }
0x52: {  	s8 =	sadd.s32 $0x1, s20;
	v14 =	vld.idx.msk [tilespmem:v14+s19+$0x0], $0xffff;
	v44 =	vor.u32 v8, v17  }
0x53: {  	s21 =	sadd.s32 $0x2, s20;
	v45 =	vadd.s32 s8, v0;
	v10 =	vmul.f32 v10, v10;
	v11 =	vadd.f32 v11, v15  }
0x54: {  	v12 =	vld.idx.msk [tilespmem:v12+s19+$0x0], $0xffff;
	v47 =	vadd.s32 s21, v0;
	v17 =	vand.u32 $0x7F, v45  }
0x55: {  	s21 =	sadd.s32 $0x3, s20;
	v46 =	vor.u32 v8, v17;
	v9 =	vmul.f32 v9, v9;
	v10 =	vadd.f32 v10, v11  }
0x56: {  	v48 =	vld.idx.msk [tilespmem:v13+s19+$0x0], $0xffff;
	v50 =	vadd.s32 s21, v0;
	v17 =	vand.u32 $0x7F, v47  }
0x57: {  	v49 =	vor.u32 v8, v17;
	v51 =	vmul.f32 v14, v14;
	v9 =	vadd.f32 v9, v10  }
0x58: {  	v53 =	vand.u32 $0x7F, v50;
	v52 =	vld.idx.msk [tilespmem:v44+s19+$0x0], $0xffff  }
0x59: {  	v54 =	vor.u32 v8, v53;
	v55 =	vmul.f32 v12, v12;
	v9 =	vadd.f32 v51, v9  }
0x5a: {  	v56 =	vld.idx.msk [tilespmem:v46+s19+$0x0], $0xffff  }
0x5b: {  	v57 =	vmul.f32 v48, v48;
	v9 =	vadd.f32 v55, v9  }
0x5c: {  	v58 =	vld.idx.msk [tilespmem:v49+s19+$0x0], $0xffff  }
0x5d: {  	v59 =	vmul.f32 v52, v52;
	v9 =	vadd.f32 v57, v9  }
0x5e: {  	v8 =	vld.idx.msk [tilespmem:v54+s19+$0x0], $0xffff  }
0x5f: {  	v60 =	vmul.f32 v56, v56;
	v9 =	vadd.f32 v59, v9;
	_ =	sdelay $0x1  }
0x60: {  	v61 =	vmul.f32 v58, v58;
	v9 =	vadd.f32 v60, v9;
	_ =	sdelay $0x1  }
0x61: {  	v8 =	vmul.f32 v8, v8;
	v9 =	vadd.f32 v61, v9;
	_ =	sdelay $0x1  }
0x62: {  	v8 =	vadd.f32 v8, v9;
	_ =	sdelay $0x1  }
0x63: {  	v9 =	vshra.s32 v8, $0x1;
	v62 =	vmul.f32 $5.000000000e-01, v8  }
0x64: {  	v9 =	vsub.s32 $0x5F3759DF, v9  }
0x65: {  	v63 =	vmul.f32 v9, v62;
	_ =	sdelay $0x1  }
0x66: {  	v11 =	vmul.f32 v9, v63;
	_ =	sdelay $0x1  }
0x67: {  	v11 =	vsub.f32 $1.500000000e+00, v11;
	_ =	sdelay $0x1  }
0x68: {  	v9 =	vmul.f32 v9, v11;
	_ =	sdelay $0x1  }
0x69: {  	v11 =	vmul.f32 v9, v62;
	_ =	sdelay $0x1  }
0x6a: {  	v11 =	vmul.f32 v11, v9;
	_ =	sdelay $0x1  }
0x6b: {  	v11 =	vsub.f32 $1.500000000e+00, v11;
	_ =	sdelay $0x1  }
0x6c: {  	v9 =	vmul.f32 v11, v9;
	_ =	sdelay $0x1  }
0x6d: {  	v10 =	vmul.f32 v9, v62;
	_ =	sdelay $0x1  }
0x6e: {  	v10 =	vmul.f32 v10, v9;
	_ =	sdelay $0x1  }
0x6f: {  	v10 =	vsub.f32 $1.500000000e+00, v10  }
0x70: {  	s18 =	sadd.s32 $0x1, s18  }
0x71: {  	p0 =	sne.s32 s18, $0xA;
	v9 =	vmul.f32 v10, v9  }
.Ltmp5:
0x72: {  	v6 =	vsub.f32 v7, v6;
	(pc) =	sbr.rel @p0 .LBB2_3-.Ltmp5, $4  }
0x73: {  	v7 =	vmul.f32 v9, v8  }
0x74: {  	v6 =	vmul.f32 v6, v6;
	vm0 =	vgt.f32 v8, $0.0e+00  }
0x75: {  	v7 =	vnsel vm0, $0x0, v7  }
0x76: {  	v4 =	vadd.f32 v6, v4;
	v3 =	vadd.f32 v7, v3  }
0x77: {  	p0 =	sge.u32 s31, s14  }
0x78: {  	s0 =	smul.u32 @!p0 $0xA0, s0;
	_ =	sdelay $0x1  }
0x79: {  	s0 =	sadd.s32 @!p0 $0x2800, s0  }
0x7a: {  	[tilespmem:s24+$0x0] =	vst.add.f32.msk $0xffff, v4;
	s3 =	sshrl.u32 @!p0 s0, $0x3  }
0x7b: {  	s18 =	simm.s32 @!p0 $0x0;
	[tilespmem:s25+$0x0] =	vst.add.f32.msk $0xffff, v3;
	s8 =	sadd.s32 @!p0 s1, s3  }
0x7c: {  	[tilespmem:s18], [sflag:$0x1] =	stream.linear.gather @!p0 [hbm4b:s8+s18], $0xA0, $0x38;
	[tilespmem:$0xA500] =	vst v63  }
0x7d: {  	s0 =	sshll.u32 @!p0 s0, $0x4;
	s3 =	sadd.s32 @!p0 s2, s3;
	s8 =	simm.s32 @!p0 $0x200  }
0x7e: {  	[tilespmem:s8], [sflag:$0x1] =	stream.linear.gather @!p0 [hbm4b:s3+s18], $0xA0, $0x38;
	[tilespmem:$0xA500] =	vst v63  }
0x7f: {  	s0 =	sadd.s32 @!p0 s4, s0;
	s3 =	simm.s32 @!p0 $0x400  }
0x80: {  	[tilespmem:s3], [sflag:$0x1] =	stream.linear.gather @!p0 [hbm4b:s0+s18], $0x5000, $0x38;
	[tilespmem:$0xA500] =	vst v63  }
0x81: {  	s0 =	sor.u32 $0x1, s31  }
0x82: {  	p0 =	sge.u32 s0, s7  }
.Ltmp6:
0x83: {  	_ = 	snop;
	(pc) =	sbr.rel @p0 .LBB2_12-.Ltmp6, $1  }
0x84: {  	_ =	sdelay $0x3  }
0x85: {  	_ =	swait.ge [sflag:s26], $0xA0  }
0x86: {  	[sflag:s26] =	ssyncset.done $0x0  }
0x87: {  	[sflag:s26] =	ssyncadd.s32 $0xFFFFFF60  }
0x88: {  	_ =	swait.ge [sflag:s26], $0xA0  }
0x89: {  	[sflag:s26] =	ssyncset.done $0x0  }
0x8a: {  	[sflag:s26] =	ssyncadd.s32 $0xFFFFFF60  }
0x8b: {  	_ =	swait.ge [sflag:s26], $0x5000  }
0x8c: {  	s0 =	sshll.u32 s0, $0x5;
	s3 =	simm.s32 $0x0;
	[sflag:s26] =	ssyncset.done $0x0  }
0x8d: {  	v5 =	vimm.f32 $0.0e+00;
	v3 =	vimm.f32 $0.0e+00;
	v4 =	vimm.f32 $0.0e+00;
	s18 =	simm.s32 $0x0;
	s0 =	sor.u32 s6, s0;
	[sflag:s26] =	ssyncadd.s32 $0xFFFFB000  }
.LBB2_8:
0x8e: {  	s8 =	sshll.u32 s18, $0x4  }
0x8f: {  	v6 =	vmov s8  }
0x90: {  	v7 =	vadd.s32 s3, v0;
	v6 =	vshll.u32 v6, $0x7  }
0x91: {  	v8 =	vor.u32 v2, v6;
	v6 =	vand.u32 $0x7F, v7  }
0x92: {  	s20 =	simm.s32 $0x1;
	v6 =	vor.u32 v8, v6  }
0x93: {  	v7 =	vadd.s32 s20, v0  }
0x94: {  	s21 =	simm.s32 $0x2;
	v7 =	vand.u32 $0x7F, v7  }
0x95: {  	v9 =	vadd.s32 s21, v0;
	v7 =	vor.u32 v8, v7  }
0x96: {  	s21 =	simm.s32 $0x3;
	v9 =	vand.u32 $0x7F, v9  }
0x97: {  	v10 =	vadd.s32 s21, v0;
	s21 =	simm.s32 $0x4;
	v9 =	vor.u32 v8, v9;
	v11 =	vld.idx.msk [tilespmem:v6+s22+$0x0], $0xffff  }
0x98: {  	v6 =	vand.u32 $0x7F, v10;
	v10 =	vadd.s32 s21, v0  }
0x99: {  	s21 =	simm.s32 $0x5;
	v12 =	vor.u32 v8, v6;
	v6 =	vand.u32 $0x7F, v10  }
0x9a: {  	v13 =	vld.idx.msk [tilespmem:v7+s22+$0x0], $0xffff;
	v10 =	vadd.s32 s21, v0;
	v16 =	vor.u32 v8, v6  }
0x9b: {  	s21 =	simm.s32 $0x6;
	v10 =	vand.u32 $0x7F, v10  }
0x9c: {  	v15 =	vadd.s32 s21, v0;
	v14 =	vor.u32 v8, v10;
	v17 =	vmul.f32 v11, v11;
	v11 =	vld.idx.msk [tilespmem:v9+s22+$0x0], $0xffff  }
0x9d: {  	v7 =	vld [tilespmem:s8+$0x300];
	s21 =	simm.s32 $0x7;
	v9 =	vand.u32 $0x7F, v15  }
0x9e: {  	v15 =	vadd.s32 s21, v0;
	v10 =	vld.idx.msk [tilespmem:v12+s22+$0x0], $0xffff;
	v12 =	vor.u32 v8, v9  }
0x9f: {  	s20 =	simm.s32 $0x8;
	v18 =	vand.u32 $0x7F, v15;
	v15 =	vadd.f32 v17, v5;
	v9 =	vld.idx.msk [tilespmem:v16+s22+$0x0], $0xffff;
	v16 =	vmul.f32 v13, v13  }
0xa0: {  	v6 =	vld [tilespmem:s8+$0x100];
	s21 =	simm.s32 $0xC;
	v17 =	vadd.s32 s20, v0;
	v13 =	vor.u32 v8, v18  }
.LBB2_9:
0xa1: {  	p0 =	sne.s32 s21, $0x7C;
	v17 =	vand.u32 $0x7F, v17;
	s8 =	sadd.s32 $0x1, s20;
	v18 =	vld.idx.msk [tilespmem:v14+s22+$0x0], $0xffff;
	v14 =	vadd.f32 v16, v15;
	v15 =	vmul.f32 v11, v11  }
0xa2: {  	v16 =	vor.u32 v8, v17;
	v11 =	vadd.s32 s8, v0  }
0xa3: {  	s8 =	sadd.s32 $0x2, s20;
	v17 =	vand.u32 $0x7F, v11;
	v11 =	vld.idx.msk [tilespmem:v12+s22+$0x0], $0xffff;
	v12 =	vadd.f32 v15, v14;
	v15 =	vmul.f32 v10, v10  }
.Ltmp7:
0xa4: {  	v10 =	vadd.s32 s8, v0;
	v14 =	vor.u32 v8, v17;
	(pc) =	sbr.rel @p0 .LBB2_9-.Ltmp7, $4  }
0xa5: {  	s8 =	sadd.s32 $0x3, s20;
	s20 =	smov.u32 s21;
	v17 =	vand.u32 $0x7F, v10;
	v19 =	vmul.f32 v9, v9;
	v10 =	vld.idx.msk [tilespmem:v13+s22+$0x0], $0xffff;
	v13 =	vadd.f32 v15, v12  }
0xa6: {  	v12 =	vor.u32 v8, v17;
	v15 =	vadd.s32 s8, v0  }
0xa7: {  	v20 =	vand.u32 $0x7F, v15;
	v9 =	vld.idx.msk [tilespmem:v16+s22+$0x0], $0xffff;
	v15 =	vadd.f32 v19, v13;
	v16 =	vmul.f32 v18, v18  }
0xa8: {  	s21 =	sadd.s32 $0x4, s21;
	v17 =	vadd.s32 s20, v0;
	v13 =	vor.u32 v8, v20  }
0xa9: {  	_ =	sdelay $0x2  }
0xaa: {  	v17 =	vand.u32 $0x7F, v17;
	v15 =	vadd.f32 v16, v15;
	v11 =	vmul.f32 v11, v11  }
0xab: {  	s8 =	sadd.s32 $0x1, s20;
	v14 =	vld.idx.msk [tilespmem:v14+s22+$0x0], $0xffff;
	v44 =	vor.u32 v8, v17  }
0xac: {  	s21 =	sadd.s32 $0x2, s20;
	v45 =	vadd.s32 s8, v0;
	v10 =	vmul.f32 v10, v10;
	v11 =	vadd.f32 v11, v15  }
0xad: {  	v12 =	vld.idx.msk [tilespmem:v12+s22+$0x0], $0xffff;
	v47 =	vadd.s32 s21, v0;
	v17 =	vand.u32 $0x7F, v45  }
0xae: {  	s21 =	sadd.s32 $0x3, s20;
	v46 =	vor.u32 v8, v17;
	v9 =	vmul.f32 v9, v9;
	v10 =	vadd.f32 v10, v11  }
0xaf: {  	v48 =	vld.idx.msk [tilespmem:v13+s22+$0x0], $0xffff;
	v50 =	vadd.s32 s21, v0;
	v17 =	vand.u32 $0x7F, v47  }
0xb0: {  	v49 =	vor.u32 v8, v17;
	v51 =	vmul.f32 v14, v14;
	v9 =	vadd.f32 v9, v10  }
0xb1: {  	v53 =	vand.u32 $0x7F, v50;
	v52 =	vld.idx.msk [tilespmem:v44+s22+$0x0], $0xffff  }
0xb2: {  	v54 =	vor.u32 v8, v53;
	v55 =	vmul.f32 v12, v12;
	v9 =	vadd.f32 v51, v9  }
0xb3: {  	v56 =	vld.idx.msk [tilespmem:v46+s22+$0x0], $0xffff  }
0xb4: {  	v57 =	vmul.f32 v48, v48;
	v9 =	vadd.f32 v55, v9  }
0xb5: {  	v58 =	vld.idx.msk [tilespmem:v49+s22+$0x0], $0xffff  }
0xb6: {  	v59 =	vmul.f32 v52, v52;
	v9 =	vadd.f32 v57, v9  }
0xb7: {  	v8 =	vld.idx.msk [tilespmem:v54+s22+$0x0], $0xffff  }
0xb8: {  	v60 =	vmul.f32 v56, v56;
	v9 =	vadd.f32 v59, v9;
	_ =	sdelay $0x1  }
0xb9: {  	v61 =	vmul.f32 v58, v58;
	v9 =	vadd.f32 v60, v9;
	_ =	sdelay $0x1  }
0xba: {  	v8 =	vmul.f32 v8, v8;
	v9 =	vadd.f32 v61, v9;
	_ =	sdelay $0x1  }
0xbb: {  	v8 =	vadd.f32 v8, v9;
	_ =	sdelay $0x1  }
0xbc: {  	v9 =	vshra.s32 v8, $0x1;
	v62 =	vmul.f32 $5.000000000e-01, v8  }
0xbd: {  	v9 =	vsub.s32 $0x5F3759DF, v9  }
0xbe: {  	v63 =	vmul.f32 v9, v62;
	_ =	sdelay $0x1  }
0xbf: {  	v11 =	vmul.f32 v9, v63;
	_ =	sdelay $0x1  }
0xc0: {  	v11 =	vsub.f32 $1.500000000e+00, v11;
	_ =	sdelay $0x1  }
0xc1: {  	v9 =	vmul.f32 v9, v11;
	_ =	sdelay $0x1  }
0xc2: {  	v11 =	vmul.f32 v9, v62;
	_ =	sdelay $0x1  }
0xc3: {  	v11 =	vmul.f32 v11, v9;
	_ =	sdelay $0x1  }
0xc4: {  	v11 =	vsub.f32 $1.500000000e+00, v11;
	_ =	sdelay $0x1  }
0xc5: {  	v9 =	vmul.f32 v11, v9;
	_ =	sdelay $0x1  }
0xc6: {  	v10 =	vmul.f32 v9, v62;
	_ =	sdelay $0x1  }
0xc7: {  	v10 =	vmul.f32 v10, v9;
	_ =	sdelay $0x1  }
0xc8: {  	v10 =	vsub.f32 $1.500000000e+00, v10  }
0xc9: {  	s18 =	sadd.s32 $0x1, s18  }
0xca: {  	p0 =	sne.s32 s18, $0xA;
	v9 =	vmul.f32 v10, v9  }
.Ltmp8:
0xcb: {  	v6 =	vsub.f32 v7, v6;
	(pc) =	sbr.rel @p0 .LBB2_8-.Ltmp8, $4  }
0xcc: {  	v7 =	vmul.f32 v9, v8  }
0xcd: {  	v6 =	vmul.f32 v6, v6;
	vm0 =	vgt.f32 v8, $0.0e+00  }
0xce: {  	v7 =	vnsel vm0, $0x0, v7  }
0xcf: {  	v4 =	vadd.f32 v6, v4;
	v3 =	vadd.f32 v7, v3  }
0xd0: {  	p0 =	sge.u32 s31, s15  }
0xd1: {  	s0 =	smul.u32 @!p0 $0xA0, s0;
	_ =	sdelay $0x1  }
0xd2: {  	s0 =	sadd.s32 @!p0 $0x2800, s0  }
0xd3: {  	[tilespmem:s24+$0x0] =	vst.add.f32.msk $0xffff, v4;
	s3 =	sshrl.u32 @!p0 s0, $0x3  }
0xd4: {  	s18 =	simm.s32 @!p0 $0x0;
	s20 =	simm.s32 @!p0 $0x100;
	[tilespmem:s25+$0x0] =	vst.add.f32.msk $0xffff, v3;
	s8 =	sadd.s32 @!p0 s1, s3  }
0xd5: {  	[tilespmem:s20], [sflag:$0x2] =	stream.linear.gather @!p0 [hbm4b:s8+s18], $0xA0, $0x38;
	[tilespmem:$0xA500] =	vst v63  }
.Ltmp9:
0xd6: {  	_ = 	snop;
	(pc) =	sbr.rel .LBB2_12-.Ltmp9, $4  }
0xd7: {  	s0 =	sshll.u32 @!p0 s0, $0x4;
	s3 =	sadd.s32 @!p0 s2, s3;
	s8 =	simm.s32 @!p0 $0x300  }
0xd8: {  	[tilespmem:s8], [sflag:$0x2] =	stream.linear.gather @!p0 [hbm4b:s3+s18], $0xA0, $0x38;
	[tilespmem:$0xA500] =	vst v63  }
0xd9: {  	s0 =	sadd.s32 @!p0 s4, s0;
	s3 =	simm.s32 @!p0 $0x5400  }
0xda: {  	[tilespmem:s3], [sflag:$0x2] =	stream.linear.gather @!p0 [hbm4b:s0+s18], $0x5000, $0x38;
	[tilespmem:$0xA500] =	vst v63  }
.LBB2_14:
0xdb: {  	_ =	sfence.sel $0x180000  }
0xdc: {  	[bflag:$0x0] =	sbarrier.arrive $0xFFFF  }
0xdd: {  	_ =	strace $0x90000047  }
0xde: {  	s0 =	stileid.u32;
	[bflag:$0x2] =	sbarrier.arrive $0xFFFF  }
0xdf: {  	p0 =	sne.s32 s0, $0x0;
	s0 =	rddreg [dreg:$0x4]  }
0xe0: {  	s0 =	sadd.s32 @!p0 $0x100000, s0  }
0xe1: {  	[sflag:s0] =	ssyncadd.tile.s32 @!p0 $0x1;
	_ =	shalt  }
.Lfunc_end2:
_tile_overlayer_lowered:
.L_overlay_start_2:
0xe2: {  	(tag) =	ssettag $0x2  }
0xe3: {  	s0 =	rddreg [dreg:$0x0];
	s2 =	stileid.u32  }
0xe4: {  	s1 =	rddreg [dreg:$0x1];
	p0 =	sne.s32 s2, $0x0  }
0xe5: {  	s3 =	rddreg [dreg:$0x2];
	[bflag:$0x3] =	sbarrier.arrive $0xFFFF;
	s2 =	simm.s32 @!p0 $0x1C03  }
0xe6: {  	[timem:s3], [sflag:s2] =	dma.local @!p0 [hbm:s0], s1  }
0xe7: {  	s0 =	simm.s32 @!p0 $0x3  }
0xe8: {  	_ =	swait.ge @!p0 [sflag:s0], s1  }
0xe9: {  	s1 =	ssub.s32 @!p0 $0x0, s1;
	[sflag:s0] =	ssyncset.done @!p0 $0x0  }
0xea: {  	[sflag:s0] =	ssyncadd.s32 @!p0 s1  }
0xeb: {  	[bflag:$0x3] =	sbarrier.arrive $0xFFFF  }
0xec: {  	_ =	shalt  }

</sc_bundles>
